<compile_context>
chip_gen: v7x
topology: tpu7x:2x2x1
jax: 0.10.2.dev20260603
libtpu: 0.0.44.dev20260713+nightly
codegen_flags: <defaults>
</compile_context>

<pallas_src>
import functools

import jax
import jax.numpy as jnp
from jax import lax
from jax.experimental import pallas as pl
from jax.experimental.pallas import tpu as pltpu
from jax.experimental.pallas import tpu_sc as plsc

_BN_EPS = 1e-5


def _stats_kernel(x_ref, w1_ref, out_ref):
    @pl.when(pl.program_id(0) == 0)
    def _():
        out_ref[...] = jnp.zeros_like(out_ref)

    x = x_ref[...]
    a = jnp.dot(x, w1_ref[...], preferred_element_type=jnp.float32)
    hid = a.shape[1]
    sh = jnp.sum(a, axis=0)
    sh2 = jnp.sum(a * a, axis=0)
    sx2 = jnp.sum(x * x)
    pad = jnp.zeros((128 - hid,), jnp.float32)
    rows = lax.broadcasted_iota(jnp.int32, (8, 128), 0)
    cols = lax.broadcasted_iota(jnp.int32, (8, 128), 1)
    upd = (jnp.where(rows == 0, jnp.concatenate([sh, pad])[None, :], 0.0)
           + jnp.where(rows == 1, jnp.concatenate([sh2, pad])[None, :], 0.0)
           + jnp.where((rows == 2) & (cols == 0), sx2, 0.0))
    out_ref[...] += upd


def _main_kernel(x_ref, w1_ref, w2_ref, cb_ref, b1e_ref, g1e_ref,
                 be1e_ref, b2e_ref, stats_ref, topics_ref, s_ref, st_ref,
                 aff_scr, cc_scr, *, n_rows):
    i = pl.program_id(0)
    hid = w1_ref.shape[1]

    @pl.when(i == 0)
    def _():
        cb0 = cb_ref[...]
        cc = jnp.sum(cb0 * cb0, axis=1)
        cc_scr[...] = jnp.broadcast_to(cc[:, None], cc_scr.shape)
        inv_n = 1.0 / n_rows
        mean_a = stats_ref[0:1, :hid] * inv_n
        var = stats_ref[1:2, :hid] * inv_n - mean_a * mean_a
        mean = mean_a + b1e_ref[...][None, :]
        scale = g1e_ref[...][None, :] * lax.rsqrt(var + _BN_EPS)
        shift = be1e_ref[...][None, :] - mean * scale
        rows8 = lax.broadcasted_iota(jnp.int32, (8, 128), 0)
        cols8 = lax.broadcasted_iota(jnp.int32, (8, 128), 1)
        pad = jnp.zeros((1, 128 - hid), jnp.float32)
        aff_scr[...] = (
            jnp.where(rows8 == 0, jnp.concatenate([scale, pad], axis=1), 0.0)
            + jnp.where(rows8 == 1, jnp.concatenate([shift, pad], axis=1),
                        0.0))
        s_ref[...] = jnp.zeros_like(s_ref)
        st_ref[...] = jnp.where((rows8 == 2) & (cols8 == 0),
                                stats_ref[...], 0.0)

    x = x_ref[...]
    b = x.shape[0]
    aff = aff_scr[...]
    h = jnp.dot(x, w1_ref[...], preferred_element_type=jnp.float32)
    h = h + b1e_ref[...][None, :]
    h = h * aff[0:1, :hid] + aff[1:2, :hid]
    h = jnp.maximum(h, 0.0)
    z = jnp.dot(h, w2_ref[...], preferred_element_type=jnp.float32)
    z = z + b2e_ref[...][None, :]

    zz = jnp.sum(z * z, axis=1)
    zcm2 = lax.dot_general(cb_ref[...] * -2.0, z,
                           (((1,), (1,)), ((), ())),
                           preferred_element_type=jnp.float32)
    d = (cc_scr[:, 0:1] + zz) + zcm2

    k = d.shape[0]
    mind = jnp.min(d, axis=0)
    ismin = d == mind[None, :]
    rowid = lax.broadcasted_iota(jnp.int32, (k, b), 0)
    idx = jnp.min(jnp.where(ismin, rowid, k), axis=0)
    topics_ref[...] = idx

    s_ref[...] += lax.dot_general(ismin.astype(jnp.bfloat16),
                                  x.astype(jnp.bfloat16),
                                  (((1,), (0,)), ((), ())),
                                  preferred_element_type=jnp.float32)
    rows = lax.broadcasted_iota(jnp.int32, (8, 128), 0)
    cols = lax.broadcasted_iota(jnp.int32, (8, 128), 1)
    st_ref[...] += jnp.where((rows == 0) & (cols == 0), jnp.sum(mind), 0.0)


def _hist_body(topics_hbm, out_hbm, idx_v, acc_v, red_v):
    nc = 2
    wid = lax.axis_index("s") * nc + lax.axis_index("c")
    shard = 2048
    kk = 1024
    base = wid * shard
    pltpu.sync_copy(topics_hbm.at[pl.ds(base, shard)], idx_v)

    zeros16 = jnp.zeros((16,), jnp.float32)

    def zbody(m, _):
        for u in range(8):
            acc_v[pl.ds(m * 128 + u * 16, 16)] = zeros16
        return _
    lax.fori_loop(0, (16 * kk) // 128, zbody, None)

    lane = lax.broadcasted_iota(jnp.int32, (16,), 0)
    bank = lane * kk
    ones16 = jnp.ones((16,), jnp.float32)

    def sbody(j, _):
        for u in range(4):
            t = idx_v[pl.ds(j * 64 + u * 16, 16)]
            plsc.addupdate_scatter(acc_v, [bank + t], ones16)
        return _
    lax.fori_loop(0, shard // 64, sbody, None)

    def rbody(i, _):
        s = zeros16
        for j in range(16):
            s = s + acc_v[pl.ds(j * kk + i * 16, 16)]
        red_v[pl.ds(i * 16, 16)] = s
        return _
    lax.fori_loop(0, kk // 16, rbody, None)

    pltpu.sync_copy(red_v, out_hbm.at[wid])


def _histogram_sc(topics, n, k):
    mesh = plsc.VectorSubcoreMesh(core_axis_name="c", subcore_axis_name="s")
    return pl.kernel(
        _hist_body,
        mesh=mesh,
        out_type=jax.ShapeDtypeStruct((32, k), jnp.float32),
        scratch_types=[pltpu.VMEM((n // 32,), jnp.int32),
                       pltpu.VMEM((16 * k,), jnp.float32),
                       pltpu.VMEM((k,), jnp.float32)],
        compiler_params=pltpu.CompilerParams(needs_layout_passes=False),
    )(topics)


def _combine_kernel(cb_ref, w1d_ref, w2d_ref, b1d_ref, g1d_ref, be1d_ref,
                    b2d_ref, cnt_ref, s_ref, st_ref, out_ref, *, n_rows):
    cb = cb_ref[...]
    hd = jnp.dot(cb, w1d_ref[...], preferred_element_type=jnp.float32)
    hd = hd + b1d_ref[...][None, :]
    counts = jnp.sum(cnt_ref[...], axis=0, keepdims=True)
    inv_n = 1.0 / n_rows
    mu = jnp.dot(counts, hd, preferred_element_type=jnp.float32) * inv_n
    ex2 = jnp.dot(counts, hd * hd, preferred_element_type=jnp.float32) * inv_n
    var = ex2 - mu * mu
    scale = g1d_ref[...][None, :] / jnp.sqrt(var + _BN_EPS)
    shift = be1d_ref[...][None, :] - mu * scale
    a = jnp.maximum(hd * scale + shift, 0.0)
    dec = jnp.dot(a, w2d_ref[...], preferred_element_type=jnp.float32)
    dec = dec + b2d_ref[...][None, :]

    d2 = jnp.sum(dec * dec, axis=1)
    cterm = jnp.sum(counts[0, :] * d2)
    cross = jnp.sum(dec * s_ref[...])

    r1 = lax.broadcasted_iota(jnp.int32, (8, 128), 0)
    c1 = lax.broadcasted_iota(jnp.int32, (8, 128), 1)
    stats = st_ref[...]
    sumx2 = jnp.sum(jnp.where((r1 == 2) & (c1 == 0), stats, 0.0))
    zloss = jnp.sum(jnp.where((r1 == 0) & (c1 == 0), stats, 0.0))

    recon = sumx2 + cterm - 2.0 * cross
    loss = 2.0 * zloss + jnp.sqrt(recon)
    out_ref[...] = jnp.full((8, 128), loss, dtype=jnp.float32)


def kernel(X, W1e, b1e, g1e, be1e, W2e, b2e, codebook,
           W1d, b1d, g1d, be1d, W2d, b2d):
    N, d_in = X.shape
    hid = W1e.shape[1]
    code = W2e.shape[1]
    K = codebook.shape[0]
    BN = 4096
    grid = N // BN

    stats1 = pl.pallas_call(
        _stats_kernel,
        grid=(grid,),
        in_specs=[pl.BlockSpec((BN, d_in), lambda i: (i, 0)),
                  pl.BlockSpec((d_in, hid), lambda i: (0, 0))],
        out_specs=pl.BlockSpec((8, 128), lambda i: (0, 0)),
        out_shape=jax.ShapeDtypeStruct((8, 128), jnp.float32),
    )(X, W1e)

    topics, S, st2 = pl.pallas_call(
        functools.partial(_main_kernel, n_rows=float(N)),
        grid=(grid,),
        in_specs=[pl.BlockSpec((BN, d_in), lambda i: (i, 0)),
                  pl.BlockSpec((d_in, hid), lambda i: (0, 0)),
                  pl.BlockSpec((hid, code), lambda i: (0, 0)),
                  pl.BlockSpec((K, code), lambda i: (0, 0)),
                  pl.BlockSpec((hid,), lambda i: (0,)),
                  pl.BlockSpec((hid,), lambda i: (0,)),
                  pl.BlockSpec((hid,), lambda i: (0,)),
                  pl.BlockSpec((code,), lambda i: (0,)),
                  pl.BlockSpec((8, 128), lambda i: (0, 0))],
        out_specs=[pl.BlockSpec((BN,), lambda i: (i,)),
                   pl.BlockSpec((K, d_in), lambda i: (0, 0)),
                   pl.BlockSpec((8, 128), lambda i: (0, 0))],
        out_shape=[jax.ShapeDtypeStruct((N,), jnp.int32),
                   jax.ShapeDtypeStruct((K, d_in), jnp.float32),
                   jax.ShapeDtypeStruct((8, 128), jnp.float32)],
        scratch_shapes=[pltpu.VMEM((8, 128), jnp.float32),
                        pltpu.VMEM((K, 8), jnp.float32)],
    )(X, W1e, W2e, codebook, b1e, g1e, be1e, b2e, stats1)

    counts_part = _histogram_sc(topics, N, K)

    loss_tile = pl.pallas_call(
        functools.partial(_combine_kernel, n_rows=float(N)),
        grid=(1,),
        in_specs=[pl.BlockSpec((K, code), lambda i: (0, 0)),
                  pl.BlockSpec((code, hid), lambda i: (0, 0)),
                  pl.BlockSpec((hid, d_in), lambda i: (0, 0)),
                  pl.BlockSpec((hid,), lambda i: (0,)),
                  pl.BlockSpec((hid,), lambda i: (0,)),
                  pl.BlockSpec((hid,), lambda i: (0,)),
                  pl.BlockSpec((d_in,), lambda i: (0,)),
                  pl.BlockSpec((32, K), lambda i: (0, 0)),
                  pl.BlockSpec((K, d_in), lambda i: (0, 0)),
                  pl.BlockSpec((8, 128), lambda i: (0, 0))],
        out_specs=pl.BlockSpec((8, 128), lambda i: (0, 0)),
        out_shape=jax.ShapeDtypeStruct((8, 128), jnp.float32),
    )(codebook, W1d, W2d, b1d, g1d, be1d, b2d, counts_part, S, st2)

    return (loss_tile[0, 0], topics)

# --- scband reference (transcript-rebuilt; emitter-appended) ---
"""Pipeline reference for scband-vqae-89970974917370 (READ-ONLY COPY).

The authoritative reference and input builder live on the scoring server;
editing this copy changes nothing except your own understanding.
"""

import jax, jax.numpy as jnp
import numpy as np

BN_EPS = 1e-5

def _mlp(x, W1, b1, g1, be1, W2, b2):
    # Linear -> BatchNorm1d (training mode, biased var) -> ReLU -> Linear
    h = x @ W1 + b1
    mean = h.mean(axis=0)
    var = h.var(axis=0)  # ddof=0, matches torch BN normalization
    h = g1 * (h - mean) / jnp.sqrt(var + BN_EPS) + be1
    h = jax.nn.relu(h)
    return h @ W2 + b2

def _cdist_sq(a, b):
    # squared euclidean distance matrix, algebraically identical to
    # (a[:, None] - b[None]).square().sum(-1)
    return (a * a).sum(-1)[:, None] + (b * b).sum(-1)[None, :] - 2.0 * (a @ b.T)

def setup_inputs(seed: int = 0) -> dict:
    key = jax.random.key(seed)
    ks = jax.random.split(key, 16)
    N, d_in, hid, code, K = 65536, 128, 64, 32, 1024
    X = jax.random.normal(ks[0], (N, d_in), dtype=jnp.float32)
    # encoder MLP params: d_in -> hid (BN+ReLU) -> code
    W1e = jax.random.normal(ks[1], (d_in, hid), dtype=jnp.float32) * 0.05
    b1e = jnp.zeros((hid,), dtype=jnp.float32)
    g1e = jnp.ones((hid,), dtype=jnp.float32)
    be1e = jnp.zeros((hid,), dtype=jnp.float32)
    W2e = jax.random.normal(ks[2], (hid, code), dtype=jnp.float32) * 0.05
    b2e = jnp.zeros((code,), dtype=jnp.float32)
    # codebook: K entries in code space (stand-in for encoder(X)[randperm[:K]])
    codebook = jax.random.normal(ks[3], (K, code), dtype=jnp.float32) * 0.05
    # decoder MLP params: code -> hid (BN+ReLU) -> d_in
    W1d = jax.random.normal(ks[4], (code, hid), dtype=jnp.float32) * 0.05
    b1d = jnp.zeros((hid,), dtype=jnp.float32)
    g1d = jnp.ones((hid,), dtype=jnp.float32)
    be1d = jnp.zeros((hid,), dtype=jnp.float32)
    W2d = jax.random.normal(ks[5], (hid, d_in), dtype=jnp.float32) * 0.05
    b2d = jnp.zeros((d_in,), dtype=jnp.float32)
    return {"X": X, "W1e": W1e, "b1e": b1e, "g1e": g1e, "be1e": be1e,
            "W2e": W2e, "b2e": b2e, "codebook": codebook,
            "W1d": W1d, "b1d": b1d, "g1d": g1d, "be1d": be1d,
            "W2d": W2d, "b2d": b2d}

def reference(X, W1e, b1e, g1e, be1e, W2e, b2e, codebook,
              W1d, b1d, g1d, be1d, W2d, b2d):
    sg = jax.lax.stop_gradient
    # z = encoder(X)
    z = _mlp(X, W1e, b1e, g1e, be1e, W2e, b2e)
    # _quantize(z, z_grad=True, return_loss=True): codebook detached
    cdist_z = _cdist_sq(z, sg(codebook))
    topics = jnp.argmin(cdist_z, axis=-1)
    z_loss = jnp.take_along_axis(cdist_z, topics[:, None], axis=1)[:, 0].sum()
    # _quantize(z, c_grad=True, return_loss=True): z detached
    cdist_c = _cdist_sq(sg(z), codebook)
    topics_c = jnp.argmin(cdist_c, axis=-1)
    c_loss = jnp.take_along_axis(cdist_c, topics_c[:, None], axis=1)[:, 0].sum()
    # X_ = decoder(codebook[topics])
    X_ = _mlp(codebook[topics], W1d, b1d, g1d, be1d, W2d, b2d)
    loss = z_loss + c_loss + jnp.sqrt(((X_ - X) ** 2).sum())
    return (loss, topics)

if __name__ == "__main__":
    import jax
    _d = setup_inputs()
    print(jax.jit(kernel)(*tuple(_d.values())))

</pallas_src>

<mosaic_0001>
#map = affine_map<(d0, d1) -> (0)>
#map1 = affine_map<(d0, d1) -> (0, 0)>
module attributes {stable_mosaic.version = 14 : i64} {
  func.func @_hist_body(%arg0: i32, %arg1: i32, %arg2: memref<65536xi32, #tpu.memory_space<hbm>>, %arg3: memref<32x1024xf32, #tpu.memory_space<hbm>>, %arg4: memref<2048xi32, #tpu.memory_space<vmem>>, %arg5: memref<16384xf32, #tpu.memory_space<vmem>>, %arg6: memref<1024xf32, #tpu.memory_space<vmem>>) attributes {dimension_semantics = [#tpu.dimension_semantics<core_parallel>, #tpu.dimension_semantics<subcore_parallel>], iteration_bounds = array<i64: 2, 16>, scalar_prefetch = 0 : i64, scratch_operands = 3 : i64, tpu.core_type = #tpu.core_type<sc_vector_subcore>, window_params = [{transform_indices = #map}, {transform_indices = #map1}]} {
    %mul3A = arith.constant 2 : i32
    %mul3A_0 = arith.muli %arg1, %mul3A : i32
    %add3A = arith.addi %mul3A_0, %arg0 : i32
    %mul3A_1 = arith.constant 2048 : i32
    %mul3A_2 = arith.muli %add3A, %mul3A_1 : i32
    "tpu.region"() ({
      %run_scoped3A = tpu.sem_alloc : memref<!tpu.dma_semaphore, #tpu.memory_space<semaphore_mem>>
      %dma_start3A = tpu.memref_slice %arg2[%mul3A_2] : memref<65536xi32, #tpu.memory_space<hbm>> -> memref<2048xi32, #tpu.memory_space<hbm>>
      %dma_start3A_23 = tpu.memref_slice %arg2[%mul3A_2] : memref<65536xi32, #tpu.memory_space<hbm>> -> memref<2048xi32, #tpu.memory_space<hbm>>
      tpu.enqueue_dma source(%dma_start3A_23 : memref<2048xi32, #tpu.memory_space<hbm>>) target(%arg4 : memref<2048xi32, #tpu.memory_space<vmem>>) target_semaphore(%run_scoped3A : memref<!tpu.dma_semaphore, #tpu.memory_space<semaphore_mem>>)
      %dma_wait3A = tpu.memref_slice %arg2[%mul3A_2] : memref<65536xi32, #tpu.memory_space<hbm>> -> memref<2048xi32, #tpu.memory_space<hbm>>
      %dma_wait3A_24 = tpu.memref_slice %arg2[%mul3A_2] : memref<65536xi32, #tpu.memory_space<hbm>> -> memref<2048xi32, #tpu.memory_space<hbm>>
      tpu.wait_dma2 semaphore(%run_scoped3A : memref<!tpu.dma_semaphore, #tpu.memory_space<semaphore_mem>>) src(%dma_wait3A_24 : memref<2048xi32, #tpu.memory_space<hbm>>) dst(%arg4 : memref<2048xi32, #tpu.memory_space<vmem>>)
      tpu.yield
    }) : () -> ()
    %broadcast_in_dim3A = arith.constant 0.000000e+00 : f32
    %broadcast_in_dim3A_3 = vector.broadcast %broadcast_in_dim3A : f32 to vector<16xf32>
    %scan3A = arith.constant 0 : i32
    %scan3A_4 = arith.constant 128 : i32
    %scan3A_5 = arith.addi %scan3A, %scan3A_4 : i32
    %scan3A_6 = arith.constant 1 : i32
    scf.for %scan3A_23 = %scan3A to %scan3A_5 step %scan3A_6  : i32 {
      %mul3A_24 = arith.constant 128 : i32
      %mul3A_25 = arith.muli %scan3A_23, %mul3A_24 : i32
      %add3A_26 = arith.constant 0 : i32
      %add3A_27 = arith.addi %mul3A_25, %add3A_26 : i32
      %swap3A = arith.index_cast %add3A_27 : i32 to index
      %swap3A_28 = tpu.vector_load %arg5[%swap3A] {strides = array<i32>} : memref<16384xf32, #tpu.memory_space<vmem>>, vector<16xf32>,
      tpu.vector_store %arg5[%swap3A], %broadcast_in_dim3A_3 {strides = array<i32>} : memref<16384xf32, #tpu.memory_space<vmem>>, vector<16xf32>,
      %mul3A_29 = arith.constant 128 : i32
      %mul3A_30 = arith.muli %scan3A_23, %mul3A_29 : i32
      %add3A_31 = arith.constant 16 : i32
      %add3A_32 = arith.addi %mul3A_30, %add3A_31 : i32
      %swap3A_33 = arith.index_cast %add3A_32 : i32 to index
      %swap3A_34 = tpu.vector_load %arg5[%swap3A_33] {strides = array<i32>} : memref<16384xf32, #tpu.memory_space<vmem>>, vector<16xf32>,
      tpu.vector_store %arg5[%swap3A_33], %broadcast_in_dim3A_3 {strides = array<i32>} : memref<16384xf32, #tpu.memory_space<vmem>>, vector<16xf32>,
      %mul3A_35 = arith.constant 128 : i32
      %mul3A_36 = arith.muli %scan3A_23, %mul3A_35 : i32
      %add3A_37 = arith.constant 32 : i32
      %add3A_38 = arith.addi %mul3A_36, %add3A_37 : i32
      %swap3A_39 = arith.index_cast %add3A_38 : i32 to index
      %swap3A_40 = tpu.vector_load %arg5[%swap3A_39] {strides = array<i32>} : memref<16384xf32, #tpu.memory_space<vmem>>, vector<16xf32>,
      tpu.vector_store %arg5[%swap3A_39], %broadcast_in_dim3A_3 {strides = array<i32>} : memref<16384xf32, #tpu.memory_space<vmem>>, vector<16xf32>,
      %mul3A_41 = arith.constant 128 : i32
      %mul3A_42 = arith.muli %scan3A_23, %mul3A_41 : i32
      %add3A_43 = arith.constant 48 : i32
      %add3A_44 = arith.addi %mul3A_42, %add3A_43 : i32
      %swap3A_45 = arith.index_cast %add3A_44 : i32 to index
      %swap3A_46 = tpu.vector_load %arg5[%swap3A_45] {strides = array<i32>} : memref<16384xf32, #tpu.memory_space<vmem>>, vector<16xf32>,
      tpu.vector_store %arg5[%swap3A_45], %broadcast_in_dim3A_3 {strides = array<i32>} : memref<16384xf32, #tpu.memory_space<vmem>>, vector<16xf32>,
      %mul3A_47 = arith.constant 128 : i32
      %mul3A_48 = arith.muli %scan3A_23, %mul3A_47 : i32
      %add3A_49 = arith.constant 64 : i32
      %add3A_50 = arith.addi %mul3A_48, %add3A_49 : i32
      %swap3A_51 = arith.index_cast %add3A_50 : i32 to index
      %swap3A_52 = tpu.vector_load %arg5[%swap3A_51] {strides = array<i32>} : memref<16384xf32, #tpu.memory_space<vmem>>, vector<16xf32>,
      tpu.vector_store %arg5[%swap3A_51], %broadcast_in_dim3A_3 {strides = array<i32>} : memref<16384xf32, #tpu.memory_space<vmem>>, vector<16xf32>,
      %mul3A_53 = arith.constant 128 : i32
      %mul3A_54 = arith.muli %scan3A_23, %mul3A_53 : i32
      %add3A_55 = arith.constant 80 : i32
      %add3A_56 = arith.addi %mul3A_54, %add3A_55 : i32
      %swap3A_57 = arith.index_cast %add3A_56 : i32 to index
      %swap3A_58 = tpu.vector_load %arg5[%swap3A_57] {strides = array<i32>} : memref<16384xf32, #tpu.memory_space<vmem>>, vector<16xf32>,
      tpu.vector_store %arg5[%swap3A_57], %broadcast_in_dim3A_3 {strides = array<i32>} : memref<16384xf32, #tpu.memory_space<vmem>>, vector<16xf32>,
      %mul3A_59 = arith.constant 128 : i32
      %mul3A_60 = arith.muli %scan3A_23, %mul3A_59 : i32
      %add3A_61 = arith.constant 96 : i32
      %add3A_62 = arith.addi %mul3A_60, %add3A_61 : i32
      %swap3A_63 = arith.index_cast %add3A_62 : i32 to index
      %swap3A_64 = tpu.vector_load %arg5[%swap3A_63] {strides = array<i32>} : memref<16384xf32, #tpu.memory_space<vmem>>, vector<16xf32>,
      tpu.vector_store %arg5[%swap3A_63], %broadcast_in_dim3A_3 {strides = array<i32>} : memref<16384xf32, #tpu.memory_space<vmem>>, vector<16xf32>,
      %mul3A_65 = arith.constant 128 : i32
      %mul3A_66 = arith.muli %scan3A_23, %mul3A_65 : i32
      %add3A_67 = arith.constant 112 : i32
      %add3A_68 = arith.addi %mul3A_66, %add3A_67 : i32
      %swap3A_69 = arith.index_cast %add3A_68 : i32 to index
      %swap3A_70 = tpu.vector_load %arg5[%swap3A_69] {strides = array<i32>} : memref<16384xf32, #tpu.memory_space<vmem>>, vector<16xf32>,
      tpu.vector_store %arg5[%swap3A_69], %broadcast_in_dim3A_3 {strides = array<i32>} : memref<16384xf32, #tpu.memory_space<vmem>>, vector<16xf32>,
    }
    %scan3A_7 = arith.constant 128 : i32
    %iota3A = tpu.iota {dimensions = array<i32: 0>} : vector<16xi32>
    %mul3A_8 = arith.constant 1024 : i32
    %mul3A_9 = vector.broadcast %mul3A_8 : i32 to vector<16xi32>
    %mul3A_10 = arith.muli %iota3A, %mul3A_9 : vector<16xi32>
    %broadcast_in_dim3A_11 = arith.constant 1.000000e+00 : f32
    %broadcast_in_dim3A_12 = vector.broadcast %broadcast_in_dim3A_11 : f32 to vector<16xf32>
    %scan3A_13 = arith.constant 0 : i32
    %scan3A_14 = arith.constant 32 : i32
    %scan3A_15 = arith.addi %scan3A_13, %scan3A_14 : i32
    %scan3A_16 = arith.constant 1 : i32
    scf.for %scan3A_23 = %scan3A_13 to %scan3A_15 step %scan3A_16  : i32 {
      %mul3A_24 = arith.constant 64 : i32
      %mul3A_25 = arith.muli %scan3A_23, %mul3A_24 : i32
      %add3A_26 = arith.constant 0 : i32
      %add3A_27 = arith.addi %mul3A_25, %add3A_26 : i32
      %get3A = arith.index_cast %add3A_27 : i32 to index
      %get3A_28 = tpu.vector_load %arg4[%get3A] {strides = array<i32>} : memref<2048xi32, #tpu.memory_space<vmem>>, vector<16xi32>,
      %add3A_29 = arith.addi %mul3A_10, %get3A_28 : vector<16xi32>
      tpu.vector_store_idx %arg5[%add3A_29], %broadcast_in_dim3A_12 {add = true} : memref<16384xf32, #tpu.memory_space<vmem>>[vector<16xi32>], vector<16xf32>,
      %mul3A_30 = arith.constant 64 : i32
      %mul3A_31 = arith.muli %scan3A_23, %mul3A_30 : i32
      %add3A_32 = arith.constant 16 : i32
      %add3A_33 = arith.addi %mul3A_31, %add3A_32 : i32
      %get3A_34 = arith.index_cast %add3A_33 : i32 to index
      %get3A_35 = tpu.vector_load %arg4[%get3A_34] {strides = array<i32>} : memref<2048xi32, #tpu.memory_space<vmem>>, vector<16xi32>,
      %add3A_36 = arith.addi %mul3A_10, %get3A_35 : vector<16xi32>
      tpu.vector_store_idx %arg5[%add3A_36], %broadcast_in_dim3A_12 {add = true} : memref<16384xf32, #tpu.memory_space<vmem>>[vector<16xi32>], vector<16xf32>,
      %mul3A_37 = arith.constant 64 : i32
      %mul3A_38 = arith.muli %scan3A_23, %mul3A_37 : i32
      %add3A_39 = arith.constant 32 : i32
      %add3A_40 = arith.addi %mul3A_38, %add3A_39 : i32
      %get3A_41 = arith.index_cast %add3A_40 : i32 to index
      %get3A_42 = tpu.vector_load %arg4[%get3A_41] {strides = array<i32>} : memref<2048xi32, #tpu.memory_space<vmem>>, vector<16xi32>,
      %add3A_43 = arith.addi %mul3A_10, %get3A_42 : vector<16xi32>
      tpu.vector_store_idx %arg5[%add3A_43], %broadcast_in_dim3A_12 {add = true} : memref<16384xf32, #tpu.memory_space<vmem>>[vector<16xi32>], vector<16xf32>,
      %mul3A_44 = arith.constant 64 : i32
      %mul3A_45 = arith.muli %scan3A_23, %mul3A_44 : i32
      %add3A_46 = arith.constant 48 : i32
      %add3A_47 = arith.addi %mul3A_45, %add3A_46 : i32
      %get3A_48 = arith.index_cast %add3A_47 : i32 to index
      %get3A_49 = tpu.vector_load %arg4[%get3A_48] {strides = array<i32>} : memref<2048xi32, #tpu.memory_space<vmem>>, vector<16xi32>,
      %add3A_50 = arith.addi %mul3A_10, %get3A_49 : vector<16xi32>
      tpu.vector_store_idx %arg5[%add3A_50], %broadcast_in_dim3A_12 {add = true} : memref<16384xf32, #tpu.memory_space<vmem>>[vector<16xi32>], vector<16xf32>,
    }
    %scan3A_17 = arith.constant 32 : i32
    %scan3A_18 = arith.constant 0 : i32
    %scan3A_19 = arith.constant 64 : i32
    %scan3A_20 = arith.addi %scan3A_18, %scan3A_19 : i32
    %scan3A_21 = arith.constant 1 : i32
    scf.for %scan3A_23 = %scan3A_18 to %scan3A_20 step %scan3A_21  : i32 {
      %mul3A_24 = arith.constant 16 : i32
      %mul3A_25 = arith.muli %scan3A_23, %mul3A_24 : i32
      %add3A_26 = arith.constant 0 : i32
      %add3A_27 = arith.addi %add3A_26, %mul3A_25 : i32
      %get3A = arith.index_cast %add3A_27 : i32 to index
      %get3A_28 = tpu.vector_load %arg5[%get3A] {strides = array<i32>} : memref<16384xf32, #tpu.memory_space<vmem>>, vector<16xf32>,
      %add3A_29 = arith.addf %broadcast_in_dim3A_3, %get3A_28 : vector<16xf32>
      %mul3A_30 = arith.constant 16 : i32
      %mul3A_31 = arith.muli %scan3A_23, %mul3A_30 : i32
      %add3A_32 = arith.constant 1024 : i32
      %add3A_33 = arith.addi %add3A_32, %mul3A_31 : i32
      %get3A_34 = arith.index_cast %add3A_33 : i32 to index
      %get3A_35 = tpu.vector_load %arg5[%get3A_34] {strides = array<i32>} : memref<16384xf32, #tpu.memory_space<vmem>>, vector<16xf32>,
      %add3A_36 = arith.addf %add3A_29, %get3A_35 : vector<16xf32>
      %mul3A_37 = arith.constant 16 : i32
      %mul3A_38 = arith.muli %scan3A_23, %mul3A_37 : i32
      %add3A_39 = arith.constant 2048 : i32
      %add3A_40 = arith.addi %add3A_39, %mul3A_38 : i32
      %get3A_41 = arith.index_cast %add3A_40 : i32 to index
      %get3A_42 = tpu.vector_load %arg5[%get3A_41] {strides = array<i32>} : memref<16384xf32, #tpu.memory_space<vmem>>, vector<16xf32>,
      %add3A_43 = arith.addf %add3A_36, %get3A_42 : vector<16xf32>
      %mul3A_44 = arith.constant 16 : i32
      %mul3A_45 = arith.muli %scan3A_23, %mul3A_44 : i32
      %add3A_46 = arith.constant 3072 : i32
      %add3A_47 = arith.addi %add3A_46, %mul3A_45 : i32
      %get3A_48 = arith.index_cast %add3A_47 : i32 to index
      %get3A_49 = tpu.vector_load %arg5[%get3A_48] {strides = array<i32>} : memref<16384xf32, #tpu.memory_space<vmem>>, vector<16xf32>,
      %add3A_50 = arith.addf %add3A_43, %get3A_49 : vector<16xf32>
      %mul3A_51 = arith.constant 16 : i32
      %mul3A_52 = arith.muli %scan3A_23, %mul3A_51 : i32
      %add3A_53 = arith.constant 4096 : i32
      %add3A_54 = arith.addi %add3A_53, %mul3A_52 : i32
      %get3A_55 = arith.index_cast %add3A_54 : i32 to index
      %get3A_56 = tpu.vector_load %arg5[%get3A_55] {strides = array<i32>} : memref<16384xf32, #tpu.memory_space<vmem>>, vector<16xf32>,
      %add3A_57 = arith.addf %add3A_50, %get3A_56 : vector<16xf32>
      %mul3A_58 = arith.constant 16 : i32
      %mul3A_59 = arith.muli %scan3A_23, %mul3A_58 : i32
      %add3A_60 = arith.constant 5120 : i32
      %add3A_61 = arith.addi %add3A_60, %mul3A_59 : i32
      %get3A_62 = arith.index_cast %add3A_61 : i32 to index
      %get3A_63 = tpu.vector_load %arg5[%get3A_62] {strides = array<i32>} : memref<16384xf32, #tpu.memory_space<vmem>>, vector<16xf32>,
      %add3A_64 = arith.addf %add3A_57, %get3A_63 : vector<16xf32>
      %mul3A_65 = arith.constant 16 : i32
      %mul3A_66 = arith.muli %scan3A_23, %mul3A_65 : i32
      %add3A_67 = arith.constant 6144 : i32
      %add3A_68 = arith.addi %add3A_67, %mul3A_66 : i32
      %get3A_69 = arith.index_cast %add3A_68 : i32 to index
      %get3A_70 = tpu.vector_load %arg5[%get3A_69] {strides = array<i32>} : memref<16384xf32, #tpu.memory_space<vmem>>, vector<16xf32>,
      %add3A_71 = arith.addf %add3A_64, %get3A_70 : vector<16xf32>
      %mul3A_72 = arith.constant 16 : i32
      %mul3A_73 = arith.muli %scan3A_23, %mul3A_72 : i32
      %add3A_74 = arith.constant 7168 : i32
      %add3A_75 = arith.addi %add3A_74, %mul3A_73 : i32
      %get3A_76 = arith.index_cast %add3A_75 : i32 to index
      %get3A_77 = tpu.vector_load %arg5[%get3A_76] {strides = array<i32>} : memref<16384xf32, #tpu.memory_space<vmem>>, vector<16xf32>,
      %add3A_78 = arith.addf %add3A_71, %get3A_77 : vector<16xf32>
      %mul3A_79 = arith.constant 16 : i32
      %mul3A_80 = arith.muli %scan3A_23, %mul3A_79 : i32
      %add3A_81 = arith.constant 8192 : i32
      %add3A_82 = arith.addi %add3A_81, %mul3A_80 : i32
      %get3A_83 = arith.index_cast %add3A_82 : i32 to index
      %get3A_84 = tpu.vector_load %arg5[%get3A_83] {strides = array<i32>} : memref<16384xf32, #tpu.memory_space<vmem>>, vector<16xf32>,
      %add3A_85 = arith.addf %add3A_78, %get3A_84 : vector<16xf32>
      %mul3A_86 = arith.constant 16 : i32
      %mul3A_87 = arith.muli %scan3A_23, %mul3A_86 : i32
      %add3A_88 = arith.constant 9216 : i32
      %add3A_89 = arith.addi %add3A_88, %mul3A_87 : i32
      %get3A_90 = arith.index_cast %add3A_89 : i32 to index
      %get3A_91 = tpu.vector_load %arg5[%get3A_90] {strides = array<i32>} : memref<16384xf32, #tpu.memory_space<vmem>>, vector<16xf32>,
      %add3A_92 = arith.addf %add3A_85, %get3A_91 : vector<16xf32>
      %mul3A_93 = arith.constant 16 : i32
      %mul3A_94 = arith.muli %scan3A_23, %mul3A_93 : i32
      %add3A_95 = arith.constant 10240 : i32
      %add3A_96 = arith.addi %add3A_95, %mul3A_94 : i32
      %get3A_97 = arith.index_cast %add3A_96 : i32 to index
      %get3A_98 = tpu.vector_load %arg5[%get3A_97] {strides = array<i32>} : memref<16384xf32, #tpu.memory_space<vmem>>, vector<16xf32>,
      %add3A_99 = arith.addf %add3A_92, %get3A_98 : vector<16xf32>
      %mul3A_100 = arith.constant 16 : i32
      %mul3A_101 = arith.muli %scan3A_23, %mul3A_100 : i32
      %add3A_102 = arith.constant 11264 : i32
      %add3A_103 = arith.addi %add3A_102, %mul3A_101 : i32
      %get3A_104 = arith.index_cast %add3A_103 : i32 to index
      %get3A_105 = tpu.vector_load %arg5[%get3A_104] {strides = array<i32>} : memref<16384xf32, #tpu.memory_space<vmem>>, vector<16xf32>,
      %add3A_106 = arith.addf %add3A_99, %get3A_105 : vector<16xf32>
      %mul3A_107 = arith.constant 16 : i32
      %mul3A_108 = arith.muli %scan3A_23, %mul3A_107 : i32
      %add3A_109 = arith.constant 12288 : i32
      %add3A_110 = arith.addi %add3A_109, %mul3A_108 : i32
      %get3A_111 = arith.index_cast %add3A_110 : i32 to index
      %get3A_112 = tpu.vector_load %arg5[%get3A_111] {strides = array<i32>} : memref<16384xf32, #tpu.memory_space<vmem>>, vector<16xf32>,
      %add3A_113 = arith.addf %add3A_106, %get3A_112 : vector<16xf32>
      %mul3A_114 = arith.constant 16 : i32
      %mul3A_115 = arith.muli %scan3A_23, %mul3A_114 : i32
      %add3A_116 = arith.constant 13312 : i32
      %add3A_117 = arith.addi %add3A_116, %mul3A_115 : i32
      %get3A_118 = arith.index_cast %add3A_117 : i32 to index
      %get3A_119 = tpu.vector_load %arg5[%get3A_118] {strides = array<i32>} : memref<16384xf32, #tpu.memory_space<vmem>>, vector<16xf32>,
      %add3A_120 = arith.addf %add3A_113, %get3A_119 : vector<16xf32>
      %mul3A_121 = arith.constant 16 : i32
      %mul3A_122 = arith.muli %scan3A_23, %mul3A_121 : i32
      %add3A_123 = arith.constant 14336 : i32
      %add3A_124 = arith.addi %add3A_123, %mul3A_122 : i32
      %get3A_125 = arith.index_cast %add3A_124 : i32 to index
      %get3A_126 = tpu.vector_load %arg5[%get3A_125] {strides = array<i32>} : memref<16384xf32, #tpu.memory_space<vmem>>, vector<16xf32>,
      %add3A_127 = arith.addf %add3A_120, %get3A_126 : vector<16xf32>
      %mul3A_128 = arith.constant 16 : i32
      %mul3A_129 = arith.muli %scan3A_23, %mul3A_128 : i32
      %add3A_130 = arith.constant 15360 : i32
      %add3A_131 = arith.addi %add3A_130, %mul3A_129 : i32
      %get3A_132 = arith.index_cast %add3A_131 : i32 to index
      %get3A_133 = tpu.vector_load %arg5[%get3A_132] {strides = array<i32>} : memref<16384xf32, #tpu.memory_space<vmem>>, vector<16xf32>,
      %add3A_134 = arith.addf %add3A_127, %get3A_133 : vector<16xf32>
      %mul3A_135 = arith.constant 16 : i32
      %mul3A_136 = arith.muli %scan3A_23, %mul3A_135 : i32
      %swap3A = arith.index_cast %mul3A_136 : i32 to index
      %swap3A_137 = tpu.vector_load %arg6[%swap3A] {strides = array<i32>} : memref<1024xf32, #tpu.memory_space<vmem>>, vector<16xf32>,
      tpu.vector_store %arg6[%swap3A], %add3A_134 {strides = array<i32>} : memref<1024xf32, #tpu.memory_space<vmem>>, vector<16xf32>,
    }
    %scan3A_22 = arith.constant 64 : i32
    "tpu.region"() ({
      %run_scoped3A = tpu.sem_alloc : memref<!tpu.dma_semaphore, #tpu.memory_space<semaphore_mem>>
      %dma_start3A = arith.constant 0 : i32
      %dma_start3A_23 = tpu.memref_slice %arg3[%add3A, %dma_start3A] : memref<32x1024xf32, #tpu.memory_space<hbm>> -> memref<1x1024xf32, #tpu.memory_space<hbm>>
      %dma_start3A_24 = tpu.memref_squeeze %dma_start3A_23 : memref<1x1024xf32, #tpu.memory_space<hbm>> -> memref<1024xf32, #tpu.memory_space<hbm>>
      %dma_start3A_25 = arith.constant 0 : i32
      %dma_start3A_26 = tpu.memref_slice %arg3[%add3A, %dma_start3A_25] : memref<32x1024xf32, #tpu.memory_space<hbm>> -> memref<1x1024xf32, #tpu.memory_space<hbm>>
      %dma_start3A_27 = tpu.memref_squeeze %dma_start3A_26 : memref<1x1024xf32, #tpu.memory_space<hbm>> -> memref<1024xf32, #tpu.memory_space<hbm>>
      tpu.enqueue_dma source(%arg6 : memref<1024xf32, #tpu.memory_space<vmem>>) target(%dma_start3A_27 : memref<1024xf32, #tpu.memory_space<hbm>>) target_semaphore(%run_scoped3A : memref<!tpu.dma_semaphore, #tpu.memory_space<semaphore_mem>>)
      %dma_wait3A = arith.constant 0 : i32
      %dma_wait3A_28 = tpu.memref_slice %arg3[%add3A, %dma_wait3A] : memref<32x1024xf32, #tpu.memory_space<hbm>> -> memref<1x1024xf32, #tpu.memory_space<hbm>>
      %dma_wait3A_29 = tpu.memref_squeeze %dma_wait3A_28 : memref<1x1024xf32, #tpu.memory_space<hbm>> -> memref<1024xf32, #tpu.memory_space<hbm>>
      %dma_wait3A_30 = arith.constant 0 : i32
      %dma_wait3A_31 = tpu.memref_slice %arg3[%add3A, %dma_wait3A_30] : memref<32x1024xf32, #tpu.memory_space<hbm>> -> memref<1x1024xf32, #tpu.memory_space<hbm>>
      %dma_wait3A_32 = tpu.memref_squeeze %dma_wait3A_31 : memref<1x1024xf32, #tpu.memory_space<hbm>> -> memref<1024xf32, #tpu.memory_space<hbm>>
      tpu.wait_dma2 semaphore(%run_scoped3A : memref<!tpu.dma_semaphore, #tpu.memory_space<semaphore_mem>>) src(%arg6 : memref<1024xf32, #tpu.memory_space<vmem>>) dst(%dma_wait3A_32 : memref<1024xf32, #tpu.memory_space<hbm>>)
      tpu.yield
    }) : () -> ()
    return
  }
}

module attributes {stable_mosaic.version = 14 : i64} {
  func.func @_main_kernel(%arg0: i32, %arg1: memref<4096x128xf32, #tpu.memory_space<vmem>>, %arg2: memref<128x64xf32, #tpu.memory_space<vmem>>, %arg3: memref<64x32xf32, #tpu.memory_space<vmem>>, %arg4: memref<1024x32xf32, #tpu.memory_space<vmem>>, %arg5: memref<64xf32, #tpu.memory_space<vmem>>, %arg6: memref<64xf32, #tpu.memory_space<vmem>>, %arg7: memref<64xf32, #tpu.memory_space<vmem>>, %arg8: memref<32xf32, #tpu.memory_space<vmem>>, %arg9: memref<8x128xf32, #tpu.memory_space<vmem>>, %arg10: memref<4096xi32, #tpu.memory_space<vmem>>, %arg11: memref<1024x128xf32, #tpu.memory_space<vmem>>, %arg12: memref<8x128xf32, #tpu.memory_space<vmem>>, %arg13: memref<8x128xf32, #tpu.memory_space<vmem>>, %arg14: memref<1024x8xf32, #tpu.memory_space<vmem>>) attributes {dimension_semantics = [#tpu.dimension_semantics<arbitrary>], iteration_bounds = array<i64: 16>, scalar_prefetch = 0 : i64, scratch_operands = 2 : i64, tpu.core_type = #tpu.core_type<tc>, window_params = [{transform_indices = @transform_0, window_bounds = array<i64: 4096, 128>}, {pipeline_mode = #tpu.pipeline_mode<synchronous>, transform_indices = @transform_1, window_bounds = array<i64: 128, 64>}, {pipeline_mode = #tpu.pipeline_mode<synchronous>, transform_indices = @transform_2, window_bounds = array<i64: 64, 32>}, {pipeline_mode = #tpu.pipeline_mode<synchronous>, transform_indices = @transform_3, window_bounds = array<i64: 1024, 32>}, {pipeline_mode = #tpu.pipeline_mode<synchronous>, transform_indices = @transform_4, window_bounds = array<i64: 64>}, {pipeline_mode = #tpu.pipeline_mode<synchronous>, transform_indices = @transform_5, window_bounds = array<i64: 64>}, {pipeline_mode = #tpu.pipeline_mode<synchronous>, transform_indices = @transform_6, window_bounds = array<i64: 64>}, {pipeline_mode = #tpu.pipeline_mode<synchronous>, transform_indices = @transform_7, window_bounds = array<i64: 32>}, {pipeline_mode = #tpu.pipeline_mode<synchronous>, transform_indices = @transform_8, window_bounds = array<i64: 8, 128>}, {transform_indices = @transform_9, window_bounds = array<i64: 4096>}, {pipeline_mode = #tpu.pipeline_mode<synchronous>, transform_indices = @transform_10, window_bounds = array<i64: 1024, 128>}, {pipeline_mode = #tpu.pipeline_mode<synchronous>, transform_indices = @transform_11, window_bounds = array<i64: 8, 128>}]} {
    %eq3A = arith.constant 0 : i32
    %eq3A_0 = arith.cmpi eq, %arg0, %eq3A : i32
    %convert_element_type3A = arith.extui %eq3A_0 : i1 to i32
    %cond3A = arith.constant 0 : i32
    %cond3A_1 = arith.cmpi ne, %convert_element_type3A, %cond3A : i32
    scf.if %cond3A_1 {
      %get3A_93 = arith.constant 0 : index
      %get3A_94 = arith.constant 0 : index
      %get3A_95 = vector.load %arg4[%get3A_93, %get3A_94] : memref<1024x32xf32, #tpu.memory_space<vmem>>, vector<1024x32xf32>
      %mul3A_96 = arith.mulf %get3A_95, %get3A_95 : vector<1024x32xf32>
      %reduce_sum3A_97 = arith.constant dense<0.000000e+00> : vector<1024xf32>
      %reduce_sum3A_98 = vector.multi_reduction <add>, %mul3A_96, %reduce_sum3A_97 [1] : vector<1024x32xf32> to vector<1024xf32>
      %broadcast_in_dim3A_99 = vector.shape_cast %reduce_sum3A_98 : vector<1024xf32> to vector<1024x1xf32>
      %broadcast_in_dim3A_100 = vector.shape_cast %broadcast_in_dim3A_99 : vector<1024x1xf32> to vector<1024x1xf32>
      %broadcast_in_dim3A_101 = vector.broadcast %broadcast_in_dim3A_100 : vector<1024x1xf32> to vector<1024x8xf32>
      %swap3A_102 = arith.constant 0 : index
      %swap3A_103 = arith.constant 0 : index
      %swap3A_104 = vector.load %arg14[%swap3A_102, %swap3A_103] : memref<1024x8xf32, #tpu.memory_space<vmem>>, vector<1024x8xf32>
      tpu.vector_store %arg14[%swap3A_102, %swap3A_103], %broadcast_in_dim3A_101 {strides = array<i32>} : memref<1024x8xf32, #tpu.memory_space<vmem>>, vector<1024x8xf32>,
      %get3A_105 = arith.constant 0 : index
      %get3A_106 = arith.constant 0 : index
      %get3A_107 = vector.load %arg9[%get3A_105, %get3A_106] : memref<8x128xf32, #tpu.memory_space<vmem>>, vector<1x64xf32>
      %mul3A_108 = arith.constant 1.52587891E-5 : f32
      %mul3A_109 = vector.broadcast %mul3A_108 : f32 to vector<1x64xf32>
      %mul3A_110 = arith.mulf %get3A_107, %mul3A_109 : vector<1x64xf32>
      %get3A_111 = arith.constant 1 : index
      %get3A_112 = arith.constant 0 : index
      %get3A_113 = vector.load %arg9[%get3A_111, %get3A_112] : memref<8x128xf32, #tpu.memory_space<vmem>>, vector<1x64xf32>
      %mul3A_114 = arith.constant 1.52587891E-5 : f32
      %mul3A_115 = vector.broadcast %mul3A_114 : f32 to vector<1x64xf32>
      %mul3A_116 = arith.mulf %get3A_113, %mul3A_115 : vector<1x64xf32>
      %mul3A_117 = arith.mulf %mul3A_110, %mul3A_110 : vector<1x64xf32>
      %sub3A = arith.subf %mul3A_116, %mul3A_117 : vector<1x64xf32>
      %get3A_118 = arith.constant 0 : index
      %get3A_119 = vector.load %arg5[%get3A_118] : memref<64xf32, #tpu.memory_space<vmem>>, vector<64xf32>
      %broadcast_in_dim3A_120 = vector.shape_cast %get3A_119 : vector<64xf32> to vector<1x64xf32>
      %add3A_121 = arith.addf %mul3A_110, %broadcast_in_dim3A_120 : vector<1x64xf32>
      %get3A_122 = arith.constant 0 : index
      %get3A_123 = vector.load %arg6[%get3A_122] : memref<64xf32, #tpu.memory_space<vmem>>, vector<64xf32>
      %broadcast_in_dim3A_124 = vector.shape_cast %get3A_123 : vector<64xf32> to vector<1x64xf32>
      %add3A_125 = arith.constant 9.99999974E-6 : f32
      %add3A_126 = vector.broadcast %add3A_125 : f32 to vector<1x64xf32>
      %add3A_127 = arith.addf %sub3A, %add3A_126 : vector<1x64xf32>
      %rsqrt3A = math.rsqrt %add3A_127 : vector<1x64xf32>
      %mul3A_128 = arith.mulf %broadcast_in_dim3A_124, %rsqrt3A : vector<1x64xf32>
      %get3A_129 = arith.constant 0 : index
      %get3A_130 = vector.load %arg7[%get3A_129] : memref<64xf32, #tpu.memory_space<vmem>>, vector<64xf32>
      %broadcast_in_dim3A_131 = vector.shape_cast %get3A_130 : vector<64xf32> to vector<1x64xf32>
      %mul3A_132 = arith.mulf %add3A_121, %mul3A_128 : vector<1x64xf32>
      %sub3A_133 = arith.subf %broadcast_in_dim3A_131, %mul3A_132 : vector<1x64xf32>
      %iota3A_134 = tpu.iota {dimensions = array<i32: 0>} : vector<8x128xi32>
      %iota3A_135 = tpu.iota {dimensions = array<i32: 1>} : vector<8x128xi32>
      %broadcast_in_dim3A_136 = arith.constant 0.000000e+00 : f32
      %broadcast_in_dim3A_137 = vector.broadcast %broadcast_in_dim3A_136 : f32 to vector<1x64xf32>
      %eq3A_138 = arith.constant 0 : i32
      %eq3A_139 = vector.broadcast %eq3A_138 : i32 to vector<8x128xi32>
      %eq3A_140 = arith.cmpi eq, %iota3A_134, %eq3A_139 : vector<8x128xi32>
      %concatenate3A = tpu.concatenate %mul3A_128, %broadcast_in_dim3A_137 in 1 : vector<1x64xf32>, vector<1x64xf32> -> vector<1x128xf32>
      %jit3A_141 = arith.constant 0.000000e+00 : f32
      %broadcast_in_dim3A_142 = vector.shape_cast %concatenate3A : vector<1x128xf32> to vector<1x128xf32>
      %broadcast_in_dim3A_143 = vector.broadcast %broadcast_in_dim3A_142 : vector<1x128xf32> to vector<8x128xf32>
      %broadcast_in_dim3A_144 = vector.broadcast %jit3A_141 : f32 to vector<8x128xf32>
      %select_n3A_145 = arith.select %eq3A_140, %broadcast_in_dim3A_143, %broadcast_in_dim3A_144 : vector<8x128xi1>, vector<8x128xf32>
      %eq3A_146 = arith.constant 1 : i32
      %eq3A_147 = vector.broadcast %eq3A_146 : i32 to vector<8x128xi32>
      %eq3A_148 = arith.cmpi eq, %iota3A_134, %eq3A_147 : vector<8x128xi32>
      %concatenate3A_149 = tpu.concatenate %sub3A_133, %broadcast_in_dim3A_137 in 1 : vector<1x64xf32>, vector<1x64xf32> -> vector<1x128xf32>
      %jit3A_150 = arith.constant 0.000000e+00 : f32
      %broadcast_in_dim3A_151 = vector.shape_cast %concatenate3A_149 : vector<1x128xf32> to vector<1x128xf32>
      %broadcast_in_dim3A_152 = vector.broadcast %broadcast_in_dim3A_151 : vector<1x128xf32> to vector<8x128xf32>
      %broadcast_in_dim3A_153 = vector.broadcast %jit3A_150 : f32 to vector<8x128xf32>
      %select_n3A_154 = arith.select %eq3A_148, %broadcast_in_dim3A_152, %broadcast_in_dim3A_153 : vector<8x128xi1>, vector<8x128xf32>
      %add3A_155 = arith.addf %select_n3A_145, %select_n3A_154 : vector<8x128xf32>
      %swap3A_156 = arith.constant 0 : index
      %swap3A_157 = arith.constant 0 : index
      %swap3A_158 = vector.load %arg13[%swap3A_156, %swap3A_157] : memref<8x128xf32, #tpu.memory_space<vmem>>, vector<8x128xf32>
      tpu.vector_store %arg13[%swap3A_156, %swap3A_157], %add3A_155 {strides = array<i32>} : memref<8x128xf32, #tpu.memory_space<vmem>>, vector<8x128xf32>,
      %broadcast_in_dim3A_159 = arith.constant 0.000000e+00 : f32
      %broadcast_in_dim3A_160 = vector.broadcast %broadcast_in_dim3A_159 : f32 to vector<1024x128xf32>
      %swap3A_161 = arith.constant 0 : index
      %swap3A_162 = arith.constant 0 : index
      %swap3A_163 = vector.load %arg11[%swap3A_161, %swap3A_162] : memref<1024x128xf32, #tpu.memory_space<vmem>>, vector<1024x128xf32>
      tpu.vector_store %arg11[%swap3A_161, %swap3A_162], %broadcast_in_dim3A_160 {strides = array<i32>} : memref<1024x128xf32, #tpu.memory_space<vmem>>, vector<1024x128xf32>,
      %eq3A_164 = arith.constant 2 : i32
      %eq3A_165 = vector.broadcast %eq3A_164 : i32 to vector<8x128xi32>
      %eq3A_166 = arith.cmpi eq, %iota3A_134, %eq3A_165 : vector<8x128xi32>
      %eq3A_167 = arith.constant 0 : i32
      %eq3A_168 = vector.broadcast %eq3A_167 : i32 to vector<8x128xi32>
      %eq3A_169 = arith.cmpi eq, %iota3A_135, %eq3A_168 : vector<8x128xi32>
      %and3A_170 = arith.andi %eq3A_166, %eq3A_169 : vector<8x128xi1>
      %get3A_171 = arith.constant 0 : index
      %get3A_172 = arith.constant 0 : index
      %get3A_173 = vector.load %arg9[%get3A_171, %get3A_172] : memref<8x128xf32, #tpu.memory_space<vmem>>, vector<8x128xf32>
      %jit3A_174 = arith.constant 0.000000e+00 : f32
      %broadcast_in_dim3A_175 = vector.broadcast %jit3A_174 : f32 to vector<8x128xf32>
      %select_n3A_176 = arith.select %and3A_170, %get3A_173, %broadcast_in_dim3A_175 : vector<8x128xi1>, vector<8x128xf32>
      %swap3A_177 = arith.constant 0 : index
      %swap3A_178 = arith.constant 0 : index
      %swap3A_179 = vector.load %arg12[%swap3A_177, %swap3A_178] : memref<8x128xf32, #tpu.memory_space<vmem>>, vector<8x128xf32>
      tpu.vector_store %arg12[%swap3A_177, %swap3A_178], %select_n3A_176 {strides = array<i32>} : memref<8x128xf32, #tpu.memory_space<vmem>>, vector<8x128xf32>,
    } else {
    }
    %get3A = arith.constant 0 : index
    %get3A_2 = arith.constant 0 : index
    %get3A_3 = vector.load %arg1[%get3A, %get3A_2] : memref<4096x128xf32, #tpu.memory_space<vmem>>, vector<4096x128xf32>
    %get3A_4 = arith.constant 0 : index
    %get3A_5 = arith.constant 0 : index
    %get3A_6 = vector.load %arg13[%get3A_4, %get3A_5] : memref<8x128xf32, #tpu.memory_space<vmem>>, vector<8x128xf32>
    %get3A_7 = arith.constant 0 : index
    %get3A_8 = arith.constant 0 : index
    %get3A_9 = vector.load %arg2[%get3A_7, %get3A_8] : memref<128x64xf32, #tpu.memory_space<vmem>>, vector<128x64xf32>
    %dot_general3A = arith.constant dense<0.000000e+00> : vector<4096x64xf32>
    %dot_general3A_10 = tpu.matmul %get3A_3, %get3A_9, %dot_general3A {dimension_numbers = #tpu.dot_dimension_numbers<[1], [0], [0], [1], [0, 0, 1, 1], [], []>, transpose_lhs_hint = false} : vector<4096x128xf32>, vector<128x64xf32>, vector<4096x64xf32> -> vector<4096x64xf32>
    %get3A_11 = arith.constant 0 : index
    %get3A_12 = vector.load %arg5[%get3A_11] : memref<64xf32, #tpu.memory_space<vmem>>, vector<64xf32>
    %broadcast_in_dim3A = vector.shape_cast %get3A_12 : vector<64xf32> to vector<1x64xf32>
    %add3A = vector.broadcast %broadcast_in_dim3A : vector<1x64xf32> to vector<4096x64xf32>
    %add3A_13 = arith.addf %dot_general3A_10, %add3A : vector<4096x64xf32>
    %slice3A = vector.extract_strided_slice %get3A_6 {offsets = [0, 0], sizes = [1, 64], strides = [1, 1]} : vector<8x128xf32> to vector<1x64xf32>
    %mul3A = vector.broadcast %slice3A : vector<1x64xf32> to vector<4096x64xf32>
    %mul3A_14 = arith.mulf %add3A_13, %mul3A : vector<4096x64xf32>
    %slice3A_15 = vector.extract_strided_slice %get3A_6 {offsets = [1, 0], sizes = [1, 64], strides = [1, 1]} : vector<8x128xf32> to vector<1x64xf32>
    %add3A_16 = vector.broadcast %slice3A_15 : vector<1x64xf32> to vector<4096x64xf32>
    %add3A_17 = arith.addf %mul3A_14, %add3A_16 : vector<4096x64xf32>
    %max3A = arith.constant 0.000000e+00 : f32
    %max3A_18 = vector.broadcast %max3A : f32 to vector<4096x64xf32>
    %max3A_19 = arith.maximumf %add3A_17, %max3A_18 : vector<4096x64xf32>
    %get3A_20 = arith.constant 0 : index
    %get3A_21 = arith.constant 0 : index
    %get3A_22 = vector.load %arg3[%get3A_20, %get3A_21] : memref<64x32xf32, #tpu.memory_space<vmem>>, vector<64x32xf32>
    %dot_general3A_23 = arith.constant dense<0.000000e+00> : vector<4096x32xf32>
    %dot_general3A_24 = tpu.matmul %max3A_19, %get3A_22, %dot_general3A_23 {dimension_numbers = #tpu.dot_dimension_numbers<[1], [0], [0], [1], [0, 0, 1, 1], [], []>, transpose_lhs_hint = false} : vector<4096x64xf32>, vector<64x32xf32>, vector<4096x32xf32> -> vector<4096x32xf32>
    %get3A_25 = arith.constant 0 : index
    %get3A_26 = vector.load %arg8[%get3A_25] : memref<32xf32, #tpu.memory_space<vmem>>, vector<32xf32>
    %broadcast_in_dim3A_27 = vector.shape_cast %get3A_26 : vector<32xf32> to vector<1x32xf32>
    %add3A_28 = vector.broadcast %broadcast_in_dim3A_27 : vector<1x32xf32> to vector<4096x32xf32>
    %add3A_29 = arith.addf %dot_general3A_24, %add3A_28 : vector<4096x32xf32>
    %mul3A_30 = arith.mulf %add3A_29, %add3A_29 : vector<4096x32xf32>
    %reduce_sum3A = arith.constant dense<0.000000e+00> : vector<4096xf32>
    %reduce_sum3A_31 = vector.multi_reduction <add>, %mul3A_30, %reduce_sum3A [1] : vector<4096x32xf32> to vector<4096xf32>
    %get3A_32 = arith.constant 0 : index
    %get3A_33 = arith.constant 0 : index
    %get3A_34 = vector.load %arg4[%get3A_32, %get3A_33] : memref<1024x32xf32, #tpu.memory_space<vmem>>, vector<1024x32xf32>
    %mul3A_35 = arith.constant -2.000000e+00 : f32
    %mul3A_36 = vector.broadcast %mul3A_35 : f32 to vector<1024x32xf32>
    %mul3A_37 = arith.mulf %get3A_34, %mul3A_36 : vector<1024x32xf32>
    %dot_general3A_38 = arith.constant dense<0.000000e+00> : vector<1024x4096xf32>
    %dot_general3A_39 = tpu.matmul %mul3A_37, %add3A_29, %dot_general3A_38 {dimension_numbers = #tpu.dot_dimension_numbers<[1], [1], [0], [0], [0, 0, 1, 0], [], []>, transpose_lhs_hint = false} : vector<1024x32xf32>, vector<4096x32xf32>, vector<1024x4096xf32> -> vector<1024x4096xf32>
    %get3A_40 = arith.constant 0 : index
    %get3A_41 = arith.constant 0 : index
    %get3A_42 = vector.load %arg14[%get3A_40, %get3A_41] : memref<1024x8xf32, #tpu.memory_space<vmem>>, vector<1024x1xf32>
    %broadcast_in_dim3A_43 = vector.shape_cast %reduce_sum3A_31 : vector<4096xf32> to vector<1x4096xf32>
    %add3A_44 = vector.broadcast %get3A_42 : vector<1024x1xf32> to vector<1024x4096xf32>
    %add3A_45 = vector.broadcast %broadcast_in_dim3A_43 : vector<1x4096xf32> to vector<1024x4096xf32>
    %add3A_46 = arith.addf %add3A_44, %add3A_45 : vector<1024x4096xf32>
    %add3A_47 = arith.addf %add3A_46, %dot_general3A_39 : vector<1024x4096xf32>
    %reduce_min3A = arith.constant dense<0x7F800000> : vector<4096xf32>
    %reduce_min3A_48 = vector.multi_reduction <minimumf>, %add3A_47, %reduce_min3A [0] : vector<1024x4096xf32> to vector<4096xf32>
    %broadcast_in_dim3A_49 = vector.shape_cast %reduce_min3A_48 : vector<4096xf32> to vector<1x4096xf32>
    %eq3A_50 = vector.broadcast %broadcast_in_dim3A_49 : vector<1x4096xf32> to vector<1024x4096xf32>
    %eq3A_51 = arith.cmpf oeq, %add3A_47, %eq3A_50 : vector<1024x4096xf32>
    %iota3A = tpu.iota {dimensions = array<i32: 0>} : vector<1024x4096xi32>
    %jit3A = arith.constant 1024 : i32
    %broadcast_in_dim3A_52 = vector.broadcast %jit3A : i32 to vector<1024x4096xi32>
    %select_n3A = arith.select %eq3A_51, %iota3A, %broadcast_in_dim3A_52 : vector<1024x4096xi1>, vector<1024x4096xi32>
    %reduce_min3A_53 = arith.constant dense<2147483647> : vector<4096xi32>
    %reduce_min3A_54 = vector.multi_reduction <minsi>, %select_n3A, %reduce_min3A_53 [0] : vector<1024x4096xi32> to vector<4096xi32>
    %swap3A = arith.constant 0 : index
    %swap3A_55 = vector.load %arg10[%swap3A] : memref<4096xi32, #tpu.memory_space<vmem>>, vector<4096xi32>
    tpu.vector_store %arg10[%swap3A], %reduce_min3A_54 {strides = array<i32>} : memref<4096xi32, #tpu.memory_space<vmem>>, vector<4096xi32>,
    %get3A_56 = arith.constant 0 : index
    %get3A_57 = arith.constant 0 : index
    %get3A_58 = vector.load %arg11[%get3A_56, %get3A_57] : memref<1024x128xf32, #tpu.memory_space<vmem>>, vector<1024x128xf32>
    %convert_element_type3A_59 = arith.extui %eq3A_51 : vector<1024x4096xi1> to vector<1024x4096xi32>
    %convert_element_type3A_60 = arith.sitofp %convert_element_type3A_59 : vector<1024x4096xi32> to vector<1024x4096xf32>
    %convert_element_type3A_61 = arith.truncf %convert_element_type3A_60 : vector<1024x4096xf32> to vector<1024x4096xbf16>
    %convert_element_type3A_62 = arith.truncf %get3A_3 : vector<4096x128xf32> to vector<4096x128xbf16>
    %dot_general3A_63 = arith.constant dense<0.000000e+00> : vector<1024x128xf32>
    %dot_general3A_64 = tpu.matmul %convert_element_type3A_61, %convert_element_type3A_62, %dot_general3A_63 {dimension_numbers = #tpu.dot_dimension_numbers<[1], [0], [0], [1], [0, 0, 1, 1], [], []>, transpose_lhs_hint = false} : vector<1024x4096xbf16>, vector<4096x128xbf16>, vector<1024x128xf32> -> vector<1024x128xf32>
    %add3A_65 = arith.addf %get3A_58, %dot_general3A_64 : vector<1024x128xf32>
    %swap3A_66 = arith.constant 0 : index
    %swap3A_67 = arith.constant 0 : index
    %swap3A_68 = vector.load %arg11[%swap3A_66, %swap3A_67] : memref<1024x128xf32, #tpu.memory_space<vmem>>, vector<1024x128xf32>
    tpu.vector_store %arg11[%swap3A_66, %swap3A_67], %add3A_65 {strides = array<i32>} : memref<1024x128xf32, #tpu.memory_space<vmem>>, vector<1024x128xf32>,
    %iota3A_69 = tpu.iota {dimensions = array<i32: 0>} : vector<8x128xi32>
    %iota3A_70 = tpu.iota {dimensions = array<i32: 1>} : vector<8x128xi32>
    %get3A_71 = arith.constant 0 : index
    %get3A_72 = arith.constant 0 : index
    %get3A_73 = vector.load %arg12[%get3A_71, %get3A_72] : memref<8x128xf32, #tpu.memory_space<vmem>>, vector<8x128xf32>
    %eq3A_74 = arith.constant 0 : i32
    %eq3A_75 = vector.broadcast %eq3A_74 : i32 to vector<8x128xi32>
    %eq3A_76 = arith.cmpi eq, %iota3A_69, %eq3A_75 : vector<8x128xi32>
    %eq3A_77 = arith.constant 0 : i32
    %eq3A_78 = vector.broadcast %eq3A_77 : i32 to vector<8x128xi32>
    %eq3A_79 = arith.cmpi eq, %iota3A_70, %eq3A_78 : vector<8x128xi32>
    %and3A = arith.andi %eq3A_76, %eq3A_79 : vector<8x128xi1>
    %reduce_sum3A_80 = vector.shape_cast %reduce_min3A_48 : vector<4096xf32> to vector<1x4096xf32>
    %reduce_sum3A_81 = arith.constant dense<0.000000e+00> : vector<1xf32>
    %reduce_sum3A_82 = vector.multi_reduction <add>, %reduce_sum3A_80, %reduce_sum3A_81 [1] : vector<1x4096xf32> to vector<1xf32>
    %reduce_sum3A_83 = vector.shape_cast %reduce_sum3A_82 : vector<1xf32> to vector<1x1xf32>
    %reduce_sum3A_84 = vector.extract %reduce_sum3A_83[0, 0] : f32 from vector<1x1xf32>
    %jit3A_85 = arith.constant 0.000000e+00 : f32
    %broadcast_in_dim3A_86 = vector.broadcast %reduce_sum3A_84 : f32 to vector<8x128xf32>
    %broadcast_in_dim3A_87 = vector.broadcast %jit3A_85 : f32 to vector<8x128xf32>
    %select_n3A_88 = arith.select %and3A, %broadcast_in_dim3A_86, %broadcast_in_dim3A_87 : vector<8x128xi1>, vector<8x128xf32>
    %add3A_89 = arith.addf %get3A_73, %select_n3A_88 : vector<8x128xf32>
    %swap3A_90 = arith.constant 0 : index
    %swap3A_91 = arith.constant 0 : index
    %swap3A_92 = vector.load %arg12[%swap3A_90, %swap3A_91] : memref<8x128xf32, #tpu.memory_space<vmem>>, vector<8x128xf32>
    tpu.vector_store %arg12[%swap3A_90, %swap3A_91], %add3A_89 {strides = array<i32>} : memref<8x128xf32, #tpu.memory_space<vmem>>, vector<8x128xf32>,
    return
  }
  func.func @transform_0(%arg0: i32) -> (i32, i32) {
    %c0_i32 = arith.constant 0 : i32
    %c0_i32_0 = arith.constant 0 : i32
    return %arg0, %c0_i32 : i32, i32
  }
  func.func @transform_1(%arg0: i32) -> (i32, i32) {
    %c0_i32 = arith.constant 0 : i32
    %c0_i32_0 = arith.constant 0 : i32
    %c0_i32_1 = arith.constant 0 : i32
    return %c0_i32, %c0_i32_0 : i32, i32
  }
  func.func @transform_2(%arg0: i32) -> (i32, i32) {
    %c0_i32 = arith.constant 0 : i32
    %c0_i32_0 = arith.constant 0 : i32
    %c0_i32_1 = arith.constant 0 : i32
    return %c0_i32, %c0_i32_0 : i32, i32
  }
  func.func @transform_3(%arg0: i32) -> (i32, i32) {
    %c0_i32 = arith.constant 0 : i32
    %c0_i32_0 = arith.constant 0 : i32
    %c0_i32_1 = arith.constant 0 : i32
    return %c0_i32, %c0_i32_0 : i32, i32
  }
  func.func @transform_4(%arg0: i32) -> i32 {
    %c0_i32 = arith.constant 0 : i32
    %c0_i32_0 = arith.constant 0 : i32
    return %c0_i32 : i32
  }
  func.func @transform_5(%arg0: i32) -> i32 {
    %c0_i32 = arith.constant 0 : i32
    %c0_i32_0 = arith.constant 0 : i32
    return %c0_i32 : i32
  }
  func.func @transform_6(%arg0: i32) -> i32 {
    %c0_i32 = arith.constant 0 : i32
    %c0_i32_0 = arith.constant 0 : i32
    return %c0_i32 : i32
  }
  func.func @transform_7(%arg0: i32) -> i32 {
    %c0_i32 = arith.constant 0 : i32
    %c0_i32_0 = arith.constant 0 : i32
    return %c0_i32 : i32
  }
  func.func @transform_8(%arg0: i32) -> (i32, i32) {
    %c0_i32 = arith.constant 0 : i32
    %c0_i32_0 = arith.constant 0 : i32
    %c0_i32_1 = arith.constant 0 : i32
    return %c0_i32, %c0_i32_0 : i32, i32
  }
  func.func @transform_9(%arg0: i32) -> i32 {
    %c0_i32 = arith.constant 0 : i32
    return %arg0 : i32
  }
  func.func @transform_10(%arg0: i32) -> (i32, i32) {
    %c0_i32 = arith.constant 0 : i32
    %c0_i32_0 = arith.constant 0 : i32
    %c0_i32_1 = arith.constant 0 : i32
    return %c0_i32, %c0_i32_0 : i32, i32
  }
  func.func @transform_11(%arg0: i32) -> (i32, i32) {
    %c0_i32 = arith.constant 0 : i32
    %c0_i32_0 = arith.constant 0 : i32
    %c0_i32_1 = arith.constant 0 : i32
    return %c0_i32, %c0_i32_0 : i32, i32
  }
}

module attributes {stable_mosaic.version = 14 : i64} {
  func.func @_stats_kernel(%arg0: i32, %arg1: memref<4096x128xf32, #tpu.memory_space<vmem>>, %arg2: memref<128x64xf32, #tpu.memory_space<vmem>>, %arg3: memref<8x128xf32, #tpu.memory_space<vmem>>) attributes {dimension_semantics = [#tpu.dimension_semantics<arbitrary>], iteration_bounds = array<i64: 16>, scalar_prefetch = 0 : i64, scratch_operands = 0 : i64, tpu.core_type = #tpu.core_type<tc>, window_params = [{transform_indices = @transform_0, window_bounds = array<i64: 4096, 128>}, {pipeline_mode = #tpu.pipeline_mode<synchronous>, transform_indices = @transform_1, window_bounds = array<i64: 128, 64>}, {pipeline_mode = #tpu.pipeline_mode<synchronous>, transform_indices = @transform_2, window_bounds = array<i64: 8, 128>}]} {
    %eq3A = arith.constant 0 : i32
    %eq3A_0 = arith.cmpi eq, %arg0, %eq3A : i32
    %convert_element_type3A = arith.extui %eq3A_0 : i1 to i32
    %cond3A = arith.constant 0 : i32
    %cond3A_1 = arith.cmpi ne, %convert_element_type3A, %cond3A : i32
    scf.if %cond3A_1 {
      %broadcast_in_dim3A_53 = arith.constant 0.000000e+00 : f32
      %broadcast_in_dim3A_54 = vector.broadcast %broadcast_in_dim3A_53 : f32 to vector<8x128xf32>
      %swap3A_55 = arith.constant 0 : index
      %swap3A_56 = arith.constant 0 : index
      %swap3A_57 = vector.load %arg3[%swap3A_55, %swap3A_56] : memref<8x128xf32, #tpu.memory_space<vmem>>, vector<8x128xf32>
      tpu.vector_store %arg3[%swap3A_55, %swap3A_56], %broadcast_in_dim3A_54 {strides = array<i32>} : memref<8x128xf32, #tpu.memory_space<vmem>>, vector<8x128xf32>,
    } else {
    }
    %get3A = arith.constant 0 : index
    %get3A_2 = arith.constant 0 : index
    %get3A_3 = vector.load %arg1[%get3A, %get3A_2] : memref<4096x128xf32, #tpu.memory_space<vmem>>, vector<4096x128xf32>
    %get3A_4 = arith.constant 0 : index
    %get3A_5 = arith.constant 0 : index
    %get3A_6 = vector.load %arg2[%get3A_4, %get3A_5] : memref<128x64xf32, #tpu.memory_space<vmem>>, vector<128x64xf32>
    %dot_general3A = arith.constant dense<0.000000e+00> : vector<4096x64xf32>
    %dot_general3A_7 = tpu.matmul %get3A_3, %get3A_6, %dot_general3A {dimension_numbers = #tpu.dot_dimension_numbers<[1], [0], [0], [1], [0, 0, 1, 1], [], []>, transpose_lhs_hint = false} : vector<4096x128xf32>, vector<128x64xf32>, vector<4096x64xf32> -> vector<4096x64xf32>
    %reduce_sum3A = arith.constant dense<0.000000e+00> : vector<64xf32>
    %reduce_sum3A_8 = vector.multi_reduction <add>, %dot_general3A_7, %reduce_sum3A [0] : vector<4096x64xf32> to vector<64xf32>
    %mul3A = arith.mulf %dot_general3A_7, %dot_general3A_7 : vector<4096x64xf32>
    %reduce_sum3A_9 = arith.constant dense<0.000000e+00> : vector<64xf32>
    %reduce_sum3A_10 = vector.multi_reduction <add>, %mul3A, %reduce_sum3A_9 [0] : vector<4096x64xf32> to vector<64xf32>
    %mul3A_11 = arith.mulf %get3A_3, %get3A_3 : vector<4096x128xf32>
    %reduce_sum3A_12 = vector.shape_cast %mul3A_11 : vector<4096x128xf32> to vector<1x4096x128xf32>
    %reduce_sum3A_13 = arith.constant dense<0.000000e+00> : vector<1xf32>
    %reduce_sum3A_14 = vector.multi_reduction <add>, %reduce_sum3A_12, %reduce_sum3A_13 [1, 2] : vector<1x4096x128xf32> to vector<1xf32>
    %reduce_sum3A_15 = vector.shape_cast %reduce_sum3A_14 : vector<1xf32> to vector<1x1x1xf32>
    %reduce_sum3A_16 = vector.extract %reduce_sum3A_15[0, 0, 0] : f32 from vector<1x1x1xf32>
    %broadcast_in_dim3A = arith.constant 0.000000e+00 : f32
    %broadcast_in_dim3A_17 = vector.broadcast %broadcast_in_dim3A : f32 to vector<64xf32>
    %iota3A = tpu.iota {dimensions = array<i32: 0>} : vector<8x128xi32>
    %iota3A_18 = tpu.iota {dimensions = array<i32: 1>} : vector<8x128xi32>
    %eq3A_19 = arith.constant 0 : i32
    %eq3A_20 = vector.broadcast %eq3A_19 : i32 to vector<8x128xi32>
    %eq3A_21 = arith.cmpi eq, %iota3A, %eq3A_20 : vector<8x128xi32>
    %concatenate3A = tpu.concatenate %reduce_sum3A_8, %broadcast_in_dim3A_17 in 0 : vector<64xf32>, vector<64xf32> -> vector<128xf32>
    %broadcast_in_dim3A_22 = vector.shape_cast %concatenate3A : vector<128xf32> to vector<1x128xf32>
    %jit3A = arith.constant 0.000000e+00 : f32
    %broadcast_in_dim3A_23 = vector.shape_cast %broadcast_in_dim3A_22 : vector<1x128xf32> to vector<1x128xf32>
    %broadcast_in_dim3A_24 = vector.broadcast %broadcast_in_dim3A_23 : vector<1x128xf32> to vector<8x128xf32>
    %broadcast_in_dim3A_25 = vector.broadcast %jit3A : f32 to vector<8x128xf32>
    %select_n3A = arith.select %eq3A_21, %broadcast_in_dim3A_24, %broadcast_in_dim3A_25 : vector<8x128xi1>, vector<8x128xf32>
    %eq3A_26 = arith.constant 1 : i32
    %eq3A_27 = vector.broadcast %eq3A_26 : i32 to vector<8x128xi32>
    %eq3A_28 = arith.cmpi eq, %iota3A, %eq3A_27 : vector<8x128xi32>
    %concatenate3A_29 = tpu.concatenate %reduce_sum3A_10, %broadcast_in_dim3A_17 in 0 : vector<64xf32>, vector<64xf32> -> vector<128xf32>
    %broadcast_in_dim3A_30 = vector.shape_cast %concatenate3A_29 : vector<128xf32> to vector<1x128xf32>
    %jit3A_31 = arith.constant 0.000000e+00 : f32
    %broadcast_in_dim3A_32 = vector.shape_cast %broadcast_in_dim3A_30 : vector<1x128xf32> to vector<1x128xf32>
    %broadcast_in_dim3A_33 = vector.broadcast %broadcast_in_dim3A_32 : vector<1x128xf32> to vector<8x128xf32>
    %broadcast_in_dim3A_34 = vector.broadcast %jit3A_31 : f32 to vector<8x128xf32>
    %select_n3A_35 = arith.select %eq3A_28, %broadcast_in_dim3A_33, %broadcast_in_dim3A_34 : vector<8x128xi1>, vector<8x128xf32>
    %add3A = arith.addf %select_n3A, %select_n3A_35 : vector<8x128xf32>
    %eq3A_36 = arith.constant 2 : i32
    %eq3A_37 = vector.broadcast %eq3A_36 : i32 to vector<8x128xi32>
    %eq3A_38 = arith.cmpi eq, %iota3A, %eq3A_37 : vector<8x128xi32>
    %eq3A_39 = arith.constant 0 : i32
    %eq3A_40 = vector.broadcast %eq3A_39 : i32 to vector<8x128xi32>
    %eq3A_41 = arith.cmpi eq, %iota3A_18, %eq3A_40 : vector<8x128xi32>
    %and3A = arith.andi %eq3A_38, %eq3A_41 : vector<8x128xi1>
    %jit3A_42 = arith.constant 0.000000e+00 : f32
    %broadcast_in_dim3A_43 = vector.broadcast %reduce_sum3A_16 : f32 to vector<8x128xf32>
    %broadcast_in_dim3A_44 = vector.broadcast %jit3A_42 : f32 to vector<8x128xf32>
    %select_n3A_45 = arith.select %and3A, %broadcast_in_dim3A_43, %broadcast_in_dim3A_44 : vector<8x128xi1>, vector<8x128xf32>
    %add3A_46 = arith.addf %add3A, %select_n3A_45 : vector<8x128xf32>
    %get3A_47 = arith.constant 0 : index
    %get3A_48 = arith.constant 0 : index
    %get3A_49 = vector.load %arg3[%get3A_47, %get3A_48] : memref<8x128xf32, #tpu.memory_space<vmem>>, vector<8x128xf32>
    %add3A_50 = arith.addf %get3A_49, %add3A_46 : vector<8x128xf32>
    %swap3A = arith.constant 0 : index
    %swap3A_51 = arith.constant 0 : index
    %swap3A_52 = vector.load %arg3[%swap3A, %swap3A_51] : memref<8x128xf32, #tpu.memory_space<vmem>>, vector<8x128xf32>
    tpu.vector_store %arg3[%swap3A, %swap3A_51], %add3A_50 {strides = array<i32>} : memref<8x128xf32, #tpu.memory_space<vmem>>, vector<8x128xf32>,
    return
  }
  func.func @transform_0(%arg0: i32) -> (i32, i32) {
    %c0_i32 = arith.constant 0 : i32
    %c0_i32_0 = arith.constant 0 : i32
    return %arg0, %c0_i32 : i32, i32
  }
  func.func @transform_1(%arg0: i32) -> (i32, i32) {
    %c0_i32 = arith.constant 0 : i32
    %c0_i32_0 = arith.constant 0 : i32
    %c0_i32_1 = arith.constant 0 : i32
    return %c0_i32, %c0_i32_0 : i32, i32
  }
  func.func @transform_2(%arg0: i32) -> (i32, i32) {
    %c0_i32 = arith.constant 0 : i32
    %c0_i32_0 = arith.constant 0 : i32
    %c0_i32_1 = arith.constant 0 : i32
    return %c0_i32, %c0_i32_0 : i32, i32
  }
}

module attributes {stable_mosaic.version = 14 : i64} {
  func.func @_combine_kernel(%arg0: i32, %arg1: memref<1024x32xf32, #tpu.memory_space<vmem>>, %arg2: memref<32x64xf32, #tpu.memory_space<vmem>>, %arg3: memref<64x128xf32, #tpu.memory_space<vmem>>, %arg4: memref<64xf32, #tpu.memory_space<vmem>>, %arg5: memref<64xf32, #tpu.memory_space<vmem>>, %arg6: memref<64xf32, #tpu.memory_space<vmem>>, %arg7: memref<128xf32, #tpu.memory_space<vmem>>, %arg8: memref<32x1024xf32, #tpu.memory_space<vmem>>, %arg9: memref<1024x128xf32, #tpu.memory_space<vmem>>, %arg10: memref<8x128xf32, #tpu.memory_space<vmem>>, %arg11: memref<8x128xf32, #tpu.memory_space<vmem>>) attributes {dimension_semantics = [#tpu.dimension_semantics<arbitrary>], iteration_bounds = array<i64: 1>, scalar_prefetch = 0 : i64, scratch_operands = 0 : i64, tpu.core_type = #tpu.core_type<tc>, window_params = [{pipeline_mode = #tpu.pipeline_mode<synchronous>, transform_indices = @transform_0, window_bounds = array<i64: 1024, 32>}, {pipeline_mode = #tpu.pipeline_mode<synchronous>, transform_indices = @transform_1, window_bounds = array<i64: 32, 64>}, {pipeline_mode = #tpu.pipeline_mode<synchronous>, transform_indices = @transform_2, window_bounds = array<i64: 64, 128>}, {pipeline_mode = #tpu.pipeline_mode<synchronous>, transform_indices = @transform_3, window_bounds = array<i64: 64>}, {pipeline_mode = #tpu.pipeline_mode<synchronous>, transform_indices = @transform_4, window_bounds = array<i64: 64>}, {pipeline_mode = #tpu.pipeline_mode<synchronous>, transform_indices = @transform_5, window_bounds = array<i64: 64>}, {pipeline_mode = #tpu.pipeline_mode<synchronous>, transform_indices = @transform_6, window_bounds = array<i64: 128>}, {pipeline_mode = #tpu.pipeline_mode<synchronous>, transform_indices = @transform_7, window_bounds = array<i64: 32, 1024>}, {pipeline_mode = #tpu.pipeline_mode<synchronous>, transform_indices = @transform_8, window_bounds = array<i64: 1024, 128>}, {pipeline_mode = #tpu.pipeline_mode<synchronous>, transform_indices = @transform_9, window_bounds = array<i64: 8, 128>}, {pipeline_mode = #tpu.pipeline_mode<synchronous>, transform_indices = @transform_10, window_bounds = array<i64: 8, 128>}]} {
    %get3A = arith.constant 0 : index
    %get3A_0 = arith.constant 0 : index
    %get3A_1 = vector.load %arg1[%get3A, %get3A_0] : memref<1024x32xf32, #tpu.memory_space<vmem>>, vector<1024x32xf32>
    %get3A_2 = arith.constant 0 : index
    %get3A_3 = arith.constant 0 : index
    %get3A_4 = vector.load %arg2[%get3A_2, %get3A_3] : memref<32x64xf32, #tpu.memory_space<vmem>>, vector<32x64xf32>
    %dot_general3A = arith.constant dense<0.000000e+00> : vector<1024x64xf32>
    %dot_general3A_5 = tpu.matmul %get3A_1, %get3A_4, %dot_general3A {dimension_numbers = #tpu.dot_dimension_numbers<[1], [0], [0], [1], [0, 0, 1, 1], [], []>, transpose_lhs_hint = false} : vector<1024x32xf32>, vector<32x64xf32>, vector<1024x64xf32> -> vector<1024x64xf32>
    %get3A_6 = arith.constant 0 : index
    %get3A_7 = vector.load %arg4[%get3A_6] : memref<64xf32, #tpu.memory_space<vmem>>, vector<64xf32>
    %broadcast_in_dim3A = vector.shape_cast %get3A_7 : vector<64xf32> to vector<1x64xf32>
    %add3A = vector.broadcast %broadcast_in_dim3A : vector<1x64xf32> to vector<1024x64xf32>
    %add3A_8 = arith.addf %dot_general3A_5, %add3A : vector<1024x64xf32>
    %get3A_9 = arith.constant 0 : index
    %get3A_10 = arith.constant 0 : index
    %get3A_11 = vector.load %arg8[%get3A_9, %get3A_10] : memref<32x1024xf32, #tpu.memory_space<vmem>>, vector<32x1024xf32>
    %reduce_sum3A = arith.constant dense<0.000000e+00> : vector<1024xf32>
    %reduce_sum3A_12 = vector.multi_reduction <add>, %get3A_11, %reduce_sum3A [0] : vector<32x1024xf32> to vector<1024xf32>
    %broadcast_in_dim3A_13 = vector.shape_cast %reduce_sum3A_12 : vector<1024xf32> to vector<1x1024xf32>
    %dot_general3A_14 = arith.constant dense<0.000000e+00> : vector<1x64xf32>
    %dot_general3A_15 = tpu.matmul %broadcast_in_dim3A_13, %add3A_8, %dot_general3A_14 {dimension_numbers = #tpu.dot_dimension_numbers<[1], [0], [0], [1], [0, 0, 1, 1], [], []>, transpose_lhs_hint = false} : vector<1x1024xf32>, vector<1024x64xf32>, vector<1x64xf32> -> vector<1x64xf32>
    %mul3A = arith.constant 1.52587891E-5 : f32
    %mul3A_16 = vector.broadcast %mul3A : f32 to vector<1x64xf32>
    %mul3A_17 = arith.mulf %dot_general3A_15, %mul3A_16 : vector<1x64xf32>
    %mul3A_18 = arith.mulf %add3A_8, %add3A_8 : vector<1024x64xf32>
    %dot_general3A_19 = arith.constant dense<0.000000e+00> : vector<1x64xf32>
    %dot_general3A_20 = tpu.matmul %broadcast_in_dim3A_13, %mul3A_18, %dot_general3A_19 {dimension_numbers = #tpu.dot_dimension_numbers<[1], [0], [0], [1], [0, 0, 1, 1], [], []>, transpose_lhs_hint = false} : vector<1x1024xf32>, vector<1024x64xf32>, vector<1x64xf32> -> vector<1x64xf32>
    %mul3A_21 = arith.constant 1.52587891E-5 : f32
    %mul3A_22 = vector.broadcast %mul3A_21 : f32 to vector<1x64xf32>
    %mul3A_23 = arith.mulf %dot_general3A_20, %mul3A_22 : vector<1x64xf32>
    %mul3A_24 = arith.mulf %mul3A_17, %mul3A_17 : vector<1x64xf32>
    %sub3A = arith.subf %mul3A_23, %mul3A_24 : vector<1x64xf32>
    %get3A_25 = arith.constant 0 : index
    %get3A_26 = vector.load %arg5[%get3A_25] : memref<64xf32, #tpu.memory_space<vmem>>, vector<64xf32>
    %broadcast_in_dim3A_27 = vector.shape_cast %get3A_26 : vector<64xf32> to vector<1x64xf32>
    %add3A_28 = arith.constant 9.99999974E-6 : f32
    %add3A_29 = vector.broadcast %add3A_28 : f32 to vector<1x64xf32>
    %add3A_30 = arith.addf %sub3A, %add3A_29 : vector<1x64xf32>
    %sqrt3A = math.sqrt %add3A_30 : vector<1x64xf32>
    %div3A = arith.divf %broadcast_in_dim3A_27, %sqrt3A : vector<1x64xf32>
    %get3A_31 = arith.constant 0 : index
    %get3A_32 = vector.load %arg6[%get3A_31] : memref<64xf32, #tpu.memory_space<vmem>>, vector<64xf32>
    %broadcast_in_dim3A_33 = vector.shape_cast %get3A_32 : vector<64xf32> to vector<1x64xf32>
    %mul3A_34 = arith.mulf %mul3A_17, %div3A : vector<1x64xf32>
    %sub3A_35 = arith.subf %broadcast_in_dim3A_33, %mul3A_34 : vector<1x64xf32>
    %mul3A_36 = vector.broadcast %div3A : vector<1x64xf32> to vector<1024x64xf32>
    %mul3A_37 = arith.mulf %add3A_8, %mul3A_36 : vector<1024x64xf32>
    %add3A_38 = vector.broadcast %sub3A_35 : vector<1x64xf32> to vector<1024x64xf32>
    %add3A_39 = arith.addf %mul3A_37, %add3A_38 : vector<1024x64xf32>
    %max3A = arith.constant 0.000000e+00 : f32
    %max3A_40 = vector.broadcast %max3A : f32 to vector<1024x64xf32>
    %max3A_41 = arith.maximumf %add3A_39, %max3A_40 : vector<1024x64xf32>
    %get3A_42 = arith.constant 0 : index
    %get3A_43 = arith.constant 0 : index
    %get3A_44 = vector.load %arg3[%get3A_42, %get3A_43] : memref<64x128xf32, #tpu.memory_space<vmem>>, vector<64x128xf32>
    %dot_general3A_45 = arith.constant dense<0.000000e+00> : vector<1024x128xf32>
    %dot_general3A_46 = tpu.matmul %max3A_41, %get3A_44, %dot_general3A_45 {dimension_numbers = #tpu.dot_dimension_numbers<[1], [0], [0], [1], [0, 0, 1, 1], [], []>, transpose_lhs_hint = false} : vector<1024x64xf32>, vector<64x128xf32>, vector<1024x128xf32> -> vector<1024x128xf32>
    %get3A_47 = arith.constant 0 : index
    %get3A_48 = vector.load %arg7[%get3A_47] : memref<128xf32, #tpu.memory_space<vmem>>, vector<128xf32>
    %broadcast_in_dim3A_49 = vector.shape_cast %get3A_48 : vector<128xf32> to vector<1x128xf32>
    %add3A_50 = vector.broadcast %broadcast_in_dim3A_49 : vector<1x128xf32> to vector<1024x128xf32>
    %add3A_51 = arith.addf %dot_general3A_46, %add3A_50 : vector<1024x128xf32>
    %mul3A_52 = arith.mulf %add3A_51, %add3A_51 : vector<1024x128xf32>
    %reduce_sum3A_53 = arith.constant dense<0.000000e+00> : vector<1024xf32>
    %reduce_sum3A_54 = vector.multi_reduction <add>, %mul3A_52, %reduce_sum3A_53 [1] : vector<1024x128xf32> to vector<1024xf32>
    %squeeze3A = vector.shape_cast %broadcast_in_dim3A_13 : vector<1x1024xf32> to vector<1024xf32>
    %mul3A_55 = arith.mulf %squeeze3A, %reduce_sum3A_54 : vector<1024xf32>
    %reduce_sum3A_56 = vector.shape_cast %mul3A_55 : vector<1024xf32> to vector<1x1024xf32>
    %reduce_sum3A_57 = arith.constant dense<0.000000e+00> : vector<1xf32>
    %reduce_sum3A_58 = vector.multi_reduction <add>, %reduce_sum3A_56, %reduce_sum3A_57 [1] : vector<1x1024xf32> to vector<1xf32>
    %reduce_sum3A_59 = vector.shape_cast %reduce_sum3A_58 : vector<1xf32> to vector<1x1xf32>
    %reduce_sum3A_60 = vector.extract %reduce_sum3A_59[0, 0] : f32 from vector<1x1xf32>
    %get3A_61 = arith.constant 0 : index
    %get3A_62 = arith.constant 0 : index
    %get3A_63 = vector.load %arg9[%get3A_61, %get3A_62] : memref<1024x128xf32, #tpu.memory_space<vmem>>, vector<1024x128xf32>
    %mul3A_64 = arith.mulf %add3A_51, %get3A_63 : vector<1024x128xf32>
    %reduce_sum3A_65 = vector.shape_cast %mul3A_64 : vector<1024x128xf32> to vector<1x1024x128xf32>
    %reduce_sum3A_66 = arith.constant dense<0.000000e+00> : vector<1xf32>
    %reduce_sum3A_67 = vector.multi_reduction <add>, %reduce_sum3A_65, %reduce_sum3A_66 [1, 2] : vector<1x1024x128xf32> to vector<1xf32>
    %reduce_sum3A_68 = vector.shape_cast %reduce_sum3A_67 : vector<1xf32> to vector<1x1x1xf32>
    %reduce_sum3A_69 = vector.extract %reduce_sum3A_68[0, 0, 0] : f32 from vector<1x1x1xf32>
    %iota3A = tpu.iota {dimensions = array<i32: 0>} : vector<8x128xi32>
    %iota3A_70 = tpu.iota {dimensions = array<i32: 1>} : vector<8x128xi32>
    %get3A_71 = arith.constant 0 : index
    %get3A_72 = arith.constant 0 : index
    %get3A_73 = vector.load %arg10[%get3A_71, %get3A_72] : memref<8x128xf32, #tpu.memory_space<vmem>>, vector<8x128xf32>
    %eq3A = arith.constant 2 : i32
    %eq3A_74 = vector.broadcast %eq3A : i32 to vector<8x128xi32>
    %eq3A_75 = arith.cmpi eq, %iota3A, %eq3A_74 : vector<8x128xi32>
    %eq3A_76 = arith.constant 0 : i32
    %eq3A_77 = vector.broadcast %eq3A_76 : i32 to vector<8x128xi32>
    %eq3A_78 = arith.cmpi eq, %iota3A_70, %eq3A_77 : vector<8x128xi32>
    %and3A = arith.andi %eq3A_75, %eq3A_78 : vector<8x128xi1>
    %jit3A = arith.constant 0.000000e+00 : f32
    %broadcast_in_dim3A_79 = vector.broadcast %jit3A : f32 to vector<8x128xf32>
    %select_n3A = arith.select %and3A, %get3A_73, %broadcast_in_dim3A_79 : vector<8x128xi1>, vector<8x128xf32>
    %reduce_sum3A_80 = vector.shape_cast %select_n3A : vector<8x128xf32> to vector<1x8x128xf32>
    %reduce_sum3A_81 = arith.constant dense<0.000000e+00> : vector<1xf32>
    %reduce_sum3A_82 = vector.multi_reduction <add>, %reduce_sum3A_80, %reduce_sum3A_81 [1, 2] : vector<1x8x128xf32> to vector<1xf32>
    %reduce_sum3A_83 = vector.shape_cast %reduce_sum3A_82 : vector<1xf32> to vector<1x1x1xf32>
    %reduce_sum3A_84 = vector.extract %reduce_sum3A_83[0, 0, 0] : f32 from vector<1x1x1xf32>
    %eq3A_85 = arith.constant 0 : i32
    %eq3A_86 = vector.broadcast %eq3A_85 : i32 to vector<8x128xi32>
    %eq3A_87 = arith.cmpi eq, %iota3A, %eq3A_86 : vector<8x128xi32>
    %eq3A_88 = arith.constant 0 : i32
    %eq3A_89 = vector.broadcast %eq3A_88 : i32 to vector<8x128xi32>
    %eq3A_90 = arith.cmpi eq, %iota3A_70, %eq3A_89 : vector<8x128xi32>
    %and3A_91 = arith.andi %eq3A_87, %eq3A_90 : vector<8x128xi1>
    %jit3A_92 = arith.constant 0.000000e+00 : f32
    %broadcast_in_dim3A_93 = vector.broadcast %jit3A_92 : f32 to vector<8x128xf32>
    %select_n3A_94 = arith.select %and3A_91, %get3A_73, %broadcast_in_dim3A_93 : vector<8x128xi1>, vector<8x128xf32>
    %reduce_sum3A_95 = vector.shape_cast %select_n3A_94 : vector<8x128xf32> to vector<1x8x128xf32>
    %reduce_sum3A_96 = arith.constant dense<0.000000e+00> : vector<1xf32>
    %reduce_sum3A_97 = vector.multi_reduction <add>, %reduce_sum3A_95, %reduce_sum3A_96 [1, 2] : vector<1x8x128xf32> to vector<1xf32>
    %reduce_sum3A_98 = vector.shape_cast %reduce_sum3A_97 : vector<1xf32> to vector<1x1x1xf32>
    %reduce_sum3A_99 = vector.extract %reduce_sum3A_98[0, 0, 0] : f32 from vector<1x1x1xf32>
    %add3A_100 = arith.addf %reduce_sum3A_84, %reduce_sum3A_60 : f32
    %mul3A_101 = arith.constant 2.000000e+00 : f32
    %mul3A_102 = arith.mulf %mul3A_101, %reduce_sum3A_69 : f32
    %sub3A_103 = arith.subf %add3A_100, %mul3A_102 : f32
    %mul3A_104 = arith.constant 2.000000e+00 : f32
    %mul3A_105 = arith.mulf %mul3A_104, %reduce_sum3A_99 : f32
    %sqrt3A_106 = math.sqrt %sub3A_103 : f32
    %add3A_107 = arith.addf %mul3A_105, %sqrt3A_106 : f32
    %broadcast_in_dim3A_108 = vector.broadcast %add3A_107 : f32 to vector<8x128xf32>
    %swap3A = arith.constant 0 : index
    %swap3A_109 = arith.constant 0 : index
    %swap3A_110 = vector.load %arg11[%swap3A, %swap3A_109] : memref<8x128xf32, #tpu.memory_space<vmem>>, vector<8x128xf32>
    tpu.vector_store %arg11[%swap3A, %swap3A_109], %broadcast_in_dim3A_108 {strides = array<i32>} : memref<8x128xf32, #tpu.memory_space<vmem>>, vector<8x128xf32>,
    return
  }
  func.func @transform_0(%arg0: i32) -> (i32, i32) {
    %c0_i32 = arith.constant 0 : i32
    %c0_i32_0 = arith.constant 0 : i32
    %c0_i32_1 = arith.constant 0 : i32
    return %c0_i32, %c0_i32_0 : i32, i32
  }
  func.func @transform_1(%arg0: i32) -> (i32, i32) {
    %c0_i32 = arith.constant 0 : i32
    %c0_i32_0 = arith.constant 0 : i32
    %c0_i32_1 = arith.constant 0 : i32
    return %c0_i32, %c0_i32_0 : i32, i32
  }
  func.func @transform_2(%arg0: i32) -> (i32, i32) {
    %c0_i32 = arith.constant 0 : i32
    %c0_i32_0 = arith.constant 0 : i32
    %c0_i32_1 = arith.constant 0 : i32
    return %c0_i32, %c0_i32_0 : i32, i32
  }
  func.func @transform_3(%arg0: i32) -> i32 {
    %c0_i32 = arith.constant 0 : i32
    %c0_i32_0 = arith.constant 0 : i32
    return %c0_i32 : i32
  }
  func.func @transform_4(%arg0: i32) -> i32 {
    %c0_i32 = arith.constant 0 : i32
    %c0_i32_0 = arith.constant 0 : i32
    return %c0_i32 : i32
  }
  func.func @transform_5(%arg0: i32) -> i32 {
    %c0_i32 = arith.constant 0 : i32
    %c0_i32_0 = arith.constant 0 : i32
    return %c0_i32 : i32
  }
  func.func @transform_6(%arg0: i32) -> i32 {
    %c0_i32 = arith.constant 0 : i32
    %c0_i32_0 = arith.constant 0 : i32
    return %c0_i32 : i32
  }
  func.func @transform_7(%arg0: i32) -> (i32, i32) {
    %c0_i32 = arith.constant 0 : i32
    %c0_i32_0 = arith.constant 0 : i32
    %c0_i32_1 = arith.constant 0 : i32
    return %c0_i32, %c0_i32_0 : i32, i32
  }
  func.func @transform_8(%arg0: i32) -> (i32, i32) {
    %c0_i32 = arith.constant 0 : i32
    %c0_i32_0 = arith.constant 0 : i32
    %c0_i32_1 = arith.constant 0 : i32
    return %c0_i32, %c0_i32_0 : i32, i32
  }
  func.func @transform_9(%arg0: i32) -> (i32, i32) {
    %c0_i32 = arith.constant 0 : i32
    %c0_i32_0 = arith.constant 0 : i32
    %c0_i32_1 = arith.constant 0 : i32
    return %c0_i32, %c0_i32_0 : i32, i32
  }
  func.func @transform_10(%arg0: i32) -> (i32, i32) {
    %c0_i32 = arith.constant 0 : i32
    %c0_i32_0 = arith.constant 0 : i32
    %c0_i32_1 = arith.constant 0 : i32
    return %c0_i32, %c0_i32_0 : i32, i32
  }
}

</mosaic_0001>

<sc_bundles>
// kernel: kernel.6.cloned.1.call-start
scs
__scs_entry_jumppad:
0x0: {  	(pc) =	sbr.rel $0x88, $3  }
0x1: {  	(tag) =	ssettag $0x0;
	lr =	simm.s32 $0x1  }
0x2: {  	[smem:$0x3F93] =	sst lr;
	_ =	strace $0xD0000000  }
0x3: {  	_ = 	snop  }
0x4: {  	_ = 	snop  }
0x5: {  	_ = 	snop  }
0x6: {  	_ = 	snop  }
0x7: {  	_ = 	snop  }
__scs_overlays_trampoline_lowered:
0x8: {  	[smem:$0x3FA2] =	sst s0  }
0x9: {  	[smem:$0x3FA3] =	sst s1  }
0xa: {  	[smem:$0x3FA4] =	sst s2  }
0xb: {  	[smem:$0x3FA5] =	sst s3  }
0xc: {  	[smem:$0x3FA6] =	sst s4  }
0xd: {  	[smem:$0x3FA7] =	sst s5  }
0xe: {  	[smem:$0x3FA8] =	sst s6  }
0xf: {  	[smem:$0x3FA9] =	sst s7  }
0x10: {  	[smem:$0x3FAA] =	sst s8  }
0x11: {  	[smem:$0x3FAB] =	sst s9;
	s0 =	simm.s32 @!p0 $0x0  }
0x12: {  	s1 =	sld [smem:$0x3F91];
	s0 =	simm.s32 @p0 $0x1  }
0x13: {  	[smem:$0x3FAC] =	sst s0;
	s0 =	simm.s32 @!p1 $0x0  }
0x14: {  	s2 =	sld [smem:$0x3F90];
	s0 =	simm.s32 @p1 $0x1  }
0x15: {  	[smem:$0x3FAD] =	sst s0;
	s0 =	simm.s32 @!p2 $0x0  }
0x16: {  	s3 =	sld [smem:$0x3FDB];
	s0 =	simm.s32 @p2 $0x1  }
0x17: {  	s4 =	simm.s32 $0x1BF5;
	[smem:$0x3FAF] =	sst s0  }
0x18: {  	s0 =	sld [smem:$0x3F92];
	_ =	swait.ge [sflag:s4], $0x0  }
0x19: {  	s7 =	sld [smem:$0x3F93]  }
0x1a: {  	s8 =	sadd.s32 $0xFFFFE003, lr  }
0x1b: {  	s9 =	sadd.s32 $0xFFFFFEF7, lr;
	s5 =	simm.s32 $0xFFFFFFFF;
	p2 =	slt.u32 s8, $0xFFFFF086  }
0x1c: {  	p1 =	slt.u32 s9, $0xF7A;
	s5 =	simm.s32 @!p2 $0x0  }
0x1d: {  	s5 =	simm.s32 @p1 $0x1;
	p0 =	seq.s32 s7, s2  }
0x1e: {  	s7 =	smul.u32 @!p0 $0xF7A, s2;
	p2 =	seq.s32 @!p0 s5, $0x0  }
0x1f: {  	s9 =	smul.u32 $0xF7A, s1;
	s8 =	simm.s32 @!p0 $0x1BF5;
	p2 =	por !p2, p0  }
0x20: {  	[sflag:s8] =	ssyncset.s32 @!p0 $0xFFFFF086;
	s6 =	sadd.s32 @!p0 s3, s7;
	s7 =	simm.s32 @!p0 $0x108  }
0x21: {  	s3 =	sadd.s32 s3, s9;
	s6 =	sadd.s32 @!p0 $0x88, s6;
	s7 =	simm.s32 @p2 $0x1082  }
0x22: {  	[simem:s7], [sflag:s8] =	dma.local @!p0 [hbm:s6], $0xF7A  }
0x23: {  	s9 =	sor.u32 $0xD0000000, s2;
	s6 =	simm.s32 $0x108;
	_ =	swait.ge @!p0 [sflag:s8], $0x0  }
0x24: {  	s3 =	sadd.s32 $0x88, s3;
	s6 =	simm.s32 @!p1 $0x1082;
	[sflag:s4] =	ssyncset.s32 $0xFFFFF086  }
0x25: {  	[simem:s6], [sflag:s4] =	dma.local [hbm:s3], $0xF7A  }
0x26: {  	[smem:$0x3F93] =	sst s1;
	(tag) =	ssettag s2;
	_ =	strace s9  }
0x27: {  	s1 =	sld [smem:$0x3FA3]  }
0x28: {  	s2 =	sld [smem:$0x3FA4]  }
0x29: {  	s4 =	sld [smem:$0x3FA6]  }
0x2a: {  	p0 =	seq.s32 s5, $0x0;
	s5 =	sld [smem:$0x3FA7]  }
0x2b: {  	s6 =	sld [smem:$0x3FA8]  }
0x2c: {  	s7 =	sld [smem:$0x3FA9]  }
0x2d: {  	s3 =	simm.s32 $0x108;
	s8 =	sld [smem:$0x3FAA]  }
0x2e: {  	s3 =	simm.s32 @!p0 $0x1082;
	s9 =	sld [smem:$0x3FAB]  }
0x2f: {  	lr =	sadd.s32 s0, s3;
	s0 =	sld [smem:$0x3FA2]  }
0x30: {  	s3 =	sld [smem:$0x3FA5]  }
0x31: {  	[smem:$0x3FAE] =	sst s10  }
0x32: {  	s10 =	sld [smem:$0x3FAC];
	_ =	sdelay $0x3  }
0x33: {  	p0 =	seq.s32 s10, $0x1;
	s10 =	sld [smem:$0x3FAE];
	_ =	sdelay $0x3  }
0x34: {  	[smem:$0x3FAE] =	sst s10  }
0x35: {  	s10 =	sld [smem:$0x3FAD];
	_ =	sdelay $0x3  }
0x36: {  	p1 =	seq.s32 s10, $0x1;
	s10 =	sld [smem:$0x3FAE];
	_ =	sdelay $0x3  }
0x37: {  	[smem:$0x3FAE] =	sst s10  }
0x38: {  	s10 =	sld [smem:$0x3FAF]  }
0x39: {  	_ = 	snop;
	(pc) =	sbr.ind lr, $3  }
0x3a: {  	_ = 	snop  }
0x3b: {  	_ = 	snop  }
0x3c: {  	p2 =	seq.s32 s10, $0x1;
	s10 =	sld [smem:$0x3FAE]  }
0x3d: {  	_ =	shalt  }
0x3e: {  	_ =	shalt  }
0x3f: {  	_ =	shalt  }
0x40: {  	_ =	shalt  }
0x41: {  	_ =	shalt  }
0x42: {  	_ =	shalt  }
0x43: {  	_ =	shalt  }
0x44: {  	_ =	shalt  }
0x45: {  	_ =	shalt  }
0x46: {  	_ =	shalt  }
0x47: {  	_ =	shalt  }
0x48: {  	_ =	shalt  }
0x49: {  	_ =	shalt  }
0x4a: {  	_ =	shalt  }
0x4b: {  	_ =	shalt  }
0x4c: {  	_ =	shalt  }
0x4d: {  	_ =	shalt  }
0x4e: {  	_ =	shalt  }
0x4f: {  	_ =	shalt  }
0x50: {  	_ =	shalt  }
0x51: {  	_ =	shalt  }
0x52: {  	_ =	shalt  }
0x53: {  	_ =	shalt  }
0x54: {  	_ =	shalt  }
0x55: {  	_ =	shalt  }
0x56: {  	_ =	shalt  }
0x57: {  	_ =	shalt  }
0x58: {  	_ =	shalt  }
0x59: {  	_ =	shalt  }
0x5a: {  	_ =	shalt  }
0x5b: {  	_ =	shalt  }
0x5c: {  	_ =	shalt  }
0x5d: {  	_ =	shalt  }
0x5e: {  	_ =	shalt  }
0x5f: {  	_ =	shalt  }
0x60: {  	_ =	shalt  }
0x61: {  	_ =	shalt  }
0x62: {  	_ =	shalt  }
0x63: {  	_ =	shalt  }
0x64: {  	_ =	shalt  }
0x65: {  	_ =	shalt  }
0x66: {  	_ =	shalt  }
0x67: {  	_ =	shalt  }
0x68: {  	_ =	shalt  }
0x69: {  	_ =	shalt  }
0x6a: {  	_ =	shalt  }
0x6b: {  	_ =	shalt  }
0x6c: {  	_ =	shalt  }
0x6d: {  	_ =	shalt  }
0x6e: {  	_ =	shalt  }
0x6f: {  	_ =	shalt  }
0x70: {  	_ =	shalt  }
0x71: {  	_ =	shalt  }
0x72: {  	_ =	shalt  }
0x73: {  	_ =	shalt  }
0x74: {  	_ =	shalt  }
0x75: {  	_ =	shalt  }
0x76: {  	_ =	shalt  }
0x77: {  	_ =	shalt  }
0x78: {  	_ =	shalt  }
0x79: {  	_ =	shalt  }
0x7a: {  	_ =	shalt  }
0x7b: {  	_ =	shalt  }
0x7c: {  	_ =	shalt  }
0x7d: {  	_ =	shalt  }
0x7e: {  	_ =	shalt  }
0x7f: {  	_ =	shalt  }
0x80: {  	_ =	shalt  }
0x81: {  	_ =	shalt  }
0x82: {  	_ =	shalt  }
0x83: {  	_ =	shalt  }
0x84: {  	_ =	shalt  }
0x85: {  	_ =	shalt  }
0x86: {  	_ =	shalt  }
0x87: {  	_ =	shalt  }
.Lfunc_end0:
.L_simem_size_0:
called_computation_lowered:
.L_overlay_start_0:
0x88: {  	s2 =	sld [smem:$0x3FD9]  }
0x89: {  	s3 =	sld [smem:$0x3FFE];
	_ =	sdelay $0x1  }
0x8a: {  	s1 =	srdreg.scid  }
0x8b: {  	s0 =	sand.u32 $0x1, s1  }
0x8c: {  	s14 =	sshll.u32 s0, $0xA;
	s2 =	sadd.s32 s3, s2  }
0x8d: {  	s2 =	sadd.s32 s2, s14  }
0x8e: {  	[smem:$0x3FBA] =	sst s2  }
0x8f: {  	_ = 	snop  }
0x90: {  	s2 =	sld [smem:$0x3FD0];
	_ =	sdelay $0x2  }
0x91: {  	s15 =	simm.s32 $0xA;
	s4 =	simm.s32 $0x10  }
0x92: {  	[smem:s4], [sflag:s15] =	dma.local [hbm:s2], $0x1  }
0x93: {  	_ =	swait.eq [sflag:s15], $0x1  }
0x94: {  	[sflag:s15] =	ssyncset.done $0x0  }
0x95: {  	[sflag:s15] =	ssyncadd.s32 $0xFFFFFFFF  }
0x96: {  	s16 =	sld [smem:$0x11];
	(tm) =	ssettm $0x1  }
0x97: {  	s17 =	sld [smem:$0x3FFB];
	_ =	sdelay $0x3  }
0x98: {  	_ =	strace s17  }
0x99: {  	s3 =	sld [smem:$0x3FFC];
	_ =	sdelay $0x3  }
0x9a: {  	_ =	strace s3  }
0x9b: {  	s3 =	sld [smem:$0x3FFD];
	_ =	sdelay $0x3  }
0x9c: {  	_ =	strace s3  }
0x9d: {  	_ =	strace $0x8FFFFFFF  }
0x9e: {  	s18 =	sld [smem:$0x3FDB];
	_ =	sdelay $0x1  }
0x9f: {  	s19 =	simm.s32 $_scs_section_size  }
0xa0: {  	s5 =	simm.s32 $_size__tile_overlayer_lowered;
	s6 =	simm.s32 $_tile_overlayer_lowered  }
0xa1: {  	s22 =	simm.s32 $0x1BFF;
	s21 =	sshll.u32 s6, $0x1;
	s3 =	sadd.s32 s19, s18  }
0xa2: {  	s7 =	simm.s32 $0x0;
	s20 =	sshll.u32 s5, $0x1;
	s5 =	sadd.s32 s21, s3  }
0xa3: {  	[timem:s7], [sflag:s22] =	dma.local [hbm:s5], s20  }
0xa4: {  	_ =	swait.ge [sflag:s22], s20  }
0xa5: {  	s4 =	ssub.s32 $0x0, s20;
	[sflag:s22] =	ssyncset.done $0x0  }
0xa6: {  	[sflag:s22] =	ssyncadd.s32 s4;
	_ =	sdelay $0x1  }
0xa7: {  	s23 =	simm.s32 $0x1B8B  }
0xa8: {  	_ =	swait.ge [sflag:s23], $0x1  }
0xa9: {  	[sflag:s23] =	ssyncset.done $0x0  }
0xaa: {  	s25 =	simm.s32 $0x1B8E;
	s24 =	sld [smem:$0x3FFE];
	[sflag:s23] =	ssyncadd.s32 $0xFFFFFFFF  }
0xab: {  	s26 =	simm.s32 $execute0_lowered;
	[smem:$0x3FD2] =	sst s25  }
0xac: {  	s5 =	sshll.u32 s26, $0x1;
	_ =	strace $0x80000046;
	[dreg:$0x1] =	wrdreg $0xFFFFFFFF  }
0xad: {  	s28 =	simm.s32 $_size_execute0_lowered;
	s3 =	sadd.s32 s3, s5;
	[dreg:$0x0] =	wrdreg $0x0  }
0xae: {  	s5 =	sshll.u32 s28, $0x1;
	[dreg:$0x2] =	wrdreg s3  }
0xaf: {  	[dreg:$0x3] =	wrdreg s5  }
0xb0: {  	[dreg:$0x4] =	wrdreg $0xC0  }
0xb1: {  	_ =	task [dreg:s7], $0x5FFFF  }
0xb2: {  	[dreg:$0x1] =	wrdreg $0xFFFFFFFF  }
0xb3: {  	[dreg:$0x0] =	wrdreg $0x60  }
0xb4: {  	[dreg:$0x2] =	wrdreg s16  }
0xb5: {  	[dreg:$0x3] =	wrdreg s24  }
0xb6: {  	[dreg:$0x4] =	wrdreg $0x9  }
0xb7: {  	_ =	task.clear_ibuf [dreg:s7], $0x5FFFF;
	_ =	strace $0x90000046  }
0xb8: {  	s29 =	simm.s32 $0x9;
	_ =	strace $0x80000048  }
0xb9: {  	_ =	swait.ge [sflag:s29], $0x1  }
0xba: {  	[sflag:s29] =	ssyncadd.s32 $0xFFFFFFFF  }
0xbb: {  	_ =	strace $0x90000048  }
0xbc: {  	_ =	sfence  }
0xbd: {  	s30 =	sld [smem:$0x0];
	_ =	sdelay $0x2  }
0xbe: {  	s31 =	sshll.u32 s1, $0xD;
	s1 =	sshrl.u32 s1, $0x2  }
0xbf: {  	s3 =	sand.u32 $0x4000, s31;
	s1 =	sadd.s32 s1, s30  }
0xc0: {  	s0 =	sor.u32 s3, s0;
	s1 =	sshll.u32 s1, $0x11  }
0xc1: {  	s0 =	sor.u32 s1, s0  }
0xc2: {  	s0 =	sadd.s32 $0x8F2B, s0  }
0xc3: {  	[sflag:s0] =	ssyncadd.remote.s32 $0x1  }
0xc4: {  	_ =	sfence.sel $0xFFFF  }
0xc5: {  	[dreg:$0x0] =	wrdreg $0xFFFFFFFF;
	(pc) =	sbr.abs _section_cstart, $3  }
0xc6: {  	[dreg:$0x1] =	wrdreg $0xFFFFFFFF  }
0xc7: {  	_ =	task.clear_ibuf [dreg:s7], $0x2FFFF;
	_ =	strace $0x9FFFFFFF  }
0xc8: {  	(tm) =	ssettm $0x7FFFFFFF  }
0xc9: {  	_ =	shalt  }
tec
execute0_lowered:
.L_overlay_start_1:
0x0: {  	(tag) =	ssettag $0x1  }
0x1: {  	s3 =	rddreg [dreg:$0x0]  }
0x2: {  	s4 =	rddreg [dreg:$0x1]  }
0x3: {  	s0 =	rddreg [dreg:$0x2]  }
0x4: {  	s1 =	stileid.u32;
	s5 =	srdreg.scid  }
0x5: {  	s2 =	simm.s32 $0x0;
	s9 =	simm.s32 $0x4800;
	s10 =	simm.s32 $0x0  }
0x6: {  	s5 =	sand.u32 $0x1, s5;
	s6 =	sshll.u32 s1, $0x1;
	[smem:$0x7FF] =	sst s2  }
0x7: {  	s7 =	sshll.u32 s1, $0x8;
	s6 =	sor.u32 s5, s6;
	_ =	strace $0x80000047  }
0x8: {  	s7 =	sand.u32 $0xC00, s7;
	s5 =	ssub.s32 $0x2, s5;
	s8 =	sshll.u32 s6, $0x4  }
0x9: {  	s4 =	sadd.s32 s7, s4;
	s31 =	sshrl.u32 s5, $0x1;
	s6 =	sshll.u32 s6, $0x8  }
0xa: {  	s7 =	simm.s32 $0x80;
	s30 =	sand.u32 $0x70, s8;
	s5 =	ssub.s32 s5, s31  }
0xb: {  	v1 =	vlaneseq.u32;
	s3 =	sadd.s32 s3, s6;
	s6 =	simm.s32 $0x1;
	s4 =	sadd.s32 s30, s4  }
0xc: {  	v0 =	vimm.f32 $0.0e+00;
	v2 =	vimm.f32 $1.000000000e+00;
	v1 =	vmul.u32 $0x400, v1;
	s8 =	simm.s32 $0x400;
	s5 =	smax.u32 s5, $0x1;
	s4 =	sadd.s32 $0x1C00, s4  }
.LBB2_1:
0xd: {  	[tilespmem:s2], [sflag:$0x1] =	stream.linear.gather [hbm4b:s3+s2], $0x800, $0x38;
	[tilespmem:$0x4C00] =	vst v63  }
0xe: {  	_ =	swait.ge [sflag:s6], $0x800  }
0xf: {  	[sflag:s6] =	ssyncset.done $0x0  }
0x10: {  	s11 =	simm.s32 $0x0;
	s12 =	simm.s32 $0x200;
	[sflag:s6] =	ssyncadd.s32 $0xFFFFF800  }
.LBB2_2:
0x11: {  	p0 =	sne.s32 s12, $0xFE00;
	[tilespmem:s11+$0x870] =	vst v0  }
0x12: {  	[tilespmem:s11+$0x800] =	vst v0  }
0x13: {  	[tilespmem:s11+$0x810] =	vst v0  }
.Ltmp0:
0x14: {  	[tilespmem:s11+$0x820] =	vst v0;
	(pc) =	sbr.rel @p0 .LBB2_2-.Ltmp0, $4  }
0x15: {  	[tilespmem:s11+$0x830] =	vst v0  }
0x16: {  	[tilespmem:s11+$0x840] =	vst v0  }
0x17: {  	[tilespmem:s11+$0x850] =	vst v0  }
0x18: {  	[tilespmem:s11+$0x860] =	vst v0;
	s11 =	sshra.s32 s12, $0x2;
	s12 =	sadd.s32 $0x200, s12  }
0x19: {  	[tilespmem:s11+$0x870] =	vst v0  }
0x1a: {  	[tilespmem:s11+$0x800] =	vst v0  }
0x1b: {  	[tilespmem:s11+$0x810] =	vst v0  }
0x1c: {  	[tilespmem:s11+$0x820] =	vst v0  }
0x1d: {  	[tilespmem:s11+$0x830] =	vst v0  }
0x1e: {  	[tilespmem:s11+$0x840] =	vst v0  }
0x1f: {  	[tilespmem:s11+$0x850] =	vst v0  }
0x20: {  	s12 =	simm.s32 $0x0;
	[tilespmem:s11+$0x860] =	vst v0;
	s11 =	simm.s32 $0x0  }
.LBB2_4:
0x21: {  	s14 =	sshra.s32 s11, $0x2  }
0x22: {  	v3 =	vld [tilespmem:s14+$0x0];
	_ =	sdelay $0x4  }
0x23: {  	v3 =	vadd.s32 v1, v3;
	_ =	sdelay $0x3  }
0x24: {  	s13 =	simm.s32 $0x800  }
0x25: {  	[tilespmem:v3+s13+$0x0] =	vst.idx.add.f32.msk $0xffff, v2  }
0x26: {  	v3 =	vld [tilespmem:s14+$0x10];
	_ =	sdelay $0x4  }
0x27: {  	v3 =	vadd.s32 v1, v3;
	_ =	sdelay $0x4  }
0x28: {  	[tilespmem:v3+s13+$0x0] =	vst.idx.add.f32.msk $0xffff, v2  }
0x29: {  	v3 =	vld [tilespmem:s14+$0x20];
	_ =	sdelay $0x4  }
0x2a: {  	v3 =	vadd.s32 v1, v3;
	_ =	sdelay $0x4  }
0x2b: {  	[tilespmem:v3+s13+$0x0] =	vst.idx.add.f32.msk $0xffff, v2  }
0x2c: {  	v3 =	vld [tilespmem:s14+$0x30];
	_ =	sdelay $0x4  }
0x2d: {  	p0 =	sne.s32 s11, $0x1F00;
	v3 =	vadd.s32 v1, v3  }
.Ltmp1:
0x2e: {  	_ = 	snop;
	(pc) =	sbr.rel @p0 .LBB2_4-.Ltmp1, $2  }
0x2f: {  	_ =	sdelay $0x2  }
0x30: {  	s11 =	sadd.s32 $0x100, s11;
	[tilespmem:v3+s13+$0x0] =	vst.idx.add.f32.msk $0xffff, v2  }
0x31: {  	v3 =	vld [tilespmem:s13+$0x0]  }
0x32: {  	s11 =	sand.u32 $0x3F0, s12  }
0x33: {  	v4 =	vld [tilespmem:s11+$0xC00];
	_ =	sdelay $0x1  }
0x34: {  	v5 =	vld [tilespmem:s11+$0x1000]  }
0x35: {  	v3 =	vadd.f32 $0.0e+00, v3  }
0x36: {  	v6 =	vld [tilespmem:s11+$0x1400]  }
0x37: {  	v3 =	vadd.f32 v4, v3  }
0x38: {  	v4 =	vld [tilespmem:s11+$0x1800]  }
0x39: {  	v3 =	vadd.f32 v5, v3  }
0x3a: {  	v5 =	vld [tilespmem:s11+$0x1C00]  }
0x3b: {  	v3 =	vadd.f32 v6, v3  }
0x3c: {  	v60 =	vld [tilespmem:s11+$0x2000]  }
0x3d: {  	v3 =	vadd.f32 v4, v3  }
0x3e: {  	v4 =	vld [tilespmem:s11+$0x2400]  }
0x3f: {  	v3 =	vadd.f32 v5, v3  }
0x40: {  	v5 =	vld [tilespmem:s11+$0x2800]  }
0x41: {  	v3 =	vadd.f32 v60, v3  }
0x42: {  	v61 =	vld [tilespmem:s11+$0x2C00]  }
0x43: {  	v3 =	vadd.f32 v4, v3  }
0x44: {  	v4 =	vld [tilespmem:s11+$0x3000]  }
0x45: {  	v3 =	vadd.f32 v5, v3  }
0x46: {  	v5 =	vld [tilespmem:s11+$0x3400]  }
0x47: {  	v3 =	vadd.f32 v61, v3  }
0x48: {  	v62 =	vld [tilespmem:s11+$0x3800]  }
0x49: {  	v3 =	vadd.f32 v4, v3  }
0x4a: {  	v4 =	vld [tilespmem:s11+$0x3C00]  }
0x4b: {  	v3 =	vadd.f32 v5, v3  }
0x4c: {  	v5 =	vld [tilespmem:s11+$0x4000]  }
0x4d: {  	v3 =	vadd.f32 v62, v3  }
0x4e: {  	v63 =	vld [tilespmem:s11+$0x4400]  }
0x4f: {  	v3 =	vadd.f32 v4, v3;
	_ =	sdelay $0x1  }
0x50: {  	v3 =	vadd.f32 v5, v3;
	_ =	sdelay $0x1  }
0x51: {  	v3 =	vadd.f32 v63, v3  }
0x52: {  	s11 =	simm.s32 $0x4800  }
0x53: {  	s12 =	simm.s32 $0x810;
	[tilespmem:s11+$0x0] =	vst v3  }
0x54: {  	s13 =	simm.s32 $0x10;
	s14 =	simm.s32 $0x20;
	v3 =	vld [tilespmem:s12+$0x0]  }
.LBB2_6:
0x55: {  	p0 =	sne.s32 s14, $0x3F0;
	s15 =	sand.u32 $0x3F0, s13;
	s13 =	smov.u32 s14  }
0x56: {  	v4 =	vld [tilespmem:s15+$0xC00];
	_ =	sdelay $0x1  }
0x57: {  	v5 =	vld [tilespmem:s15+$0x1000]  }
0x58: {  	v3 =	vadd.f32 $0.0e+00, v3  }
0x59: {  	v6 =	vld [tilespmem:s15+$0x1400]  }
0x5a: {  	v3 =	vadd.f32 v4, v3  }
0x5b: {  	v4 =	vld [tilespmem:s15+$0x1800]  }
0x5c: {  	v3 =	vadd.f32 v5, v3  }
0x5d: {  	v5 =	vld [tilespmem:s15+$0x1C00]  }
0x5e: {  	v3 =	vadd.f32 v6, v3  }
0x5f: {  	v6 =	vld [tilespmem:s15+$0x2000]  }
0x60: {  	v3 =	vadd.f32 v4, v3  }
0x61: {  	v4 =	vld [tilespmem:s15+$0x2400]  }
0x62: {  	v3 =	vadd.f32 v5, v3  }
0x63: {  	v5 =	vld [tilespmem:s15+$0x2800]  }
0x64: {  	v3 =	vadd.f32 v6, v3  }
0x65: {  	v6 =	vld [tilespmem:s15+$0x2C00]  }
0x66: {  	v3 =	vadd.f32 v4, v3  }
0x67: {  	v4 =	vld [tilespmem:s15+$0x3000]  }
0x68: {  	v3 =	vadd.f32 v5, v3  }
0x69: {  	v5 =	vld [tilespmem:s15+$0x3400]  }
0x6a: {  	v3 =	vadd.f32 v6, v3  }
0x6b: {  	v6 =	vld [tilespmem:s15+$0x3800]  }
0x6c: {  	v3 =	vadd.f32 v4, v3  }
0x6d: {  	v4 =	vld [tilespmem:s15+$0x3C00]  }
0x6e: {  	v3 =	vadd.f32 v5, v3  }
0x6f: {  	v5 =	vld [tilespmem:s15+$0x4000]  }
0x70: {  	v3 =	vadd.f32 v6, v3  }
0x71: {  	v6 =	vld [tilespmem:s15+$0x4400]  }
0x72: {  	v3 =	vadd.f32 v4, v3;
	_ =	sdelay $0x1  }
0x73: {  	v3 =	vadd.f32 v5, v3  }
.Ltmp2:
0x74: {  	(pc) =	sbr.rel @p0 .LBB2_6-.Ltmp2, $4  }
0x75: {  	v3 =	vadd.f32 v6, v3  }
0x76: {  	s11 =	sadd.s32 $0x10, s11  }
0x77: {  	s12 =	sadd.s32 $0x10, s12;
	[tilespmem:s11+$0x0] =	vst v3  }
0x78: {  	s14 =	sadd.s32 $0x10, s14;
	v3 =	vld [tilespmem:s12+$0x0]  }
0x79: {  	s12 =	sand.u32 $0x3F0, s13  }
0x7a: {  	v4 =	vld [tilespmem:s12+$0xC00];
	_ =	sdelay $0x1  }
0x7b: {  	v5 =	vld [tilespmem:s12+$0x1000]  }
0x7c: {  	v3 =	vadd.f32 $0.0e+00, v3  }
0x7d: {  	v6 =	vld [tilespmem:s12+$0x1400]  }
0x7e: {  	v3 =	vadd.f32 v4, v3  }
0x7f: {  	v52 =	vld [tilespmem:s12+$0x1800]  }
0x80: {  	v3 =	vadd.f32 v5, v3  }
0x81: {  	v53 =	vld [tilespmem:s12+$0x1C00]  }
0x82: {  	v3 =	vadd.f32 v6, v3  }
0x83: {  	v54 =	vld [tilespmem:s12+$0x2000]  }
0x84: {  	v3 =	vadd.f32 v52, v3  }
0x85: {  	v55 =	vld [tilespmem:s12+$0x2400]  }
0x86: {  	v3 =	vadd.f32 v53, v3  }
0x87: {  	v56 =	vld [tilespmem:s12+$0x2800]  }
0x88: {  	v3 =	vadd.f32 v54, v3  }
0x89: {  	v57 =	vld [tilespmem:s12+$0x2C00]  }
0x8a: {  	v3 =	vadd.f32 v55, v3  }
0x8b: {  	v58 =	vld [tilespmem:s12+$0x3000]  }
0x8c: {  	v3 =	vadd.f32 v56, v3  }
0x8d: {  	v59 =	vld [tilespmem:s12+$0x3400]  }
0x8e: {  	v3 =	vadd.f32 v57, v3  }
0x8f: {  	v60 =	vld [tilespmem:s12+$0x3800]  }
0x90: {  	v3 =	vadd.f32 v58, v3  }
0x91: {  	v61 =	vld [tilespmem:s12+$0x3C00]  }
0x92: {  	v3 =	vadd.f32 v59, v3  }
0x93: {  	v62 =	vld [tilespmem:s12+$0x4000]  }
0x94: {  	v3 =	vadd.f32 v60, v3  }
0x95: {  	v63 =	vld [tilespmem:s12+$0x4400]  }
0x96: {  	v3 =	vadd.f32 v61, v3;
	_ =	sdelay $0x1  }
0x97: {  	v3 =	vadd.f32 v62, v3;
	_ =	sdelay $0x1  }
0x98: {  	s10 =	sadd.s32 $0x1, s10;
	v3 =	vadd.f32 v63, v3  }
0x99: {  	s11 =	sadd.s32 $0x10, s11;
	p0 =	sne.s32 s10, s5  }
.Ltmp3:
0x9a: {  	[tilespmem:s11+$0x0] =	vst v3;
	(pc) =	sbr.rel @p0 .LBB2_1-.Ltmp3, $4  }
0x9b: {  	[hbm4b:s4+s7] =	stream.strided.scatter [tilespmem:s9], [sflag:$0x1], $0x400, s8, s7, $0x38;
	[tilespmem:$0x4C00] =	vst v63  }
0x9c: {  	_ =	swait.ge [sflag:s6], $0x400  }
0x9d: {  	[sflag:s6] =	ssyncset.done $0x0  }
0x9e: {  	[sflag:s6] =	ssyncadd.s32 $0xFFFFFC00  }
0x9f: {  	_ =	sfence.sel $0x180000  }
0xa0: {  	[bflag:$0x0] =	sbarrier.arrive $0xFFFF  }
0xa1: {  	p0 =	sne.s32 s1, $0x0;
	_ =	strace $0x90000047  }
0xa2: {  	s0 =	sadd.s32 @!p0 $0x100000, s0;
	[bflag:$0x2] =	sbarrier.arrive $0xFFFF  }
0xa3: {  	[sflag:s0] =	ssyncadd.tile.s32 @!p0 $0x1;
	_ =	shalt  }
.Lfunc_end2:
_tile_overlayer_lowered:
.L_overlay_start_2:
0xa4: {  	(tag) =	ssettag $0x2  }
0xa5: {  	s0 =	rddreg [dreg:$0x0];
	s2 =	stileid.u32  }
0xa6: {  	s1 =	rddreg [dreg:$0x1];
	p0 =	sne.s32 s2, $0x0  }
0xa7: {  	s3 =	rddreg [dreg:$0x2];
	[bflag:$0x3] =	sbarrier.arrive $0xFFFF;
	s2 =	simm.s32 @!p0 $0x1C01  }
0xa8: {  	[timem:s3], [sflag:s2] =	dma.local @!p0 [hbm:s0], s1  }
0xa9: {  	s0 =	simm.s32 @!p0 $0x1  }
0xaa: {  	_ =	swait.ge @!p0 [sflag:s0], s1  }
0xab: {  	s1 =	ssub.s32 @!p0 $0x0, s1;
	[sflag:s0] =	ssyncset.done @!p0 $0x0  }
0xac: {  	[sflag:s0] =	ssyncadd.s32 @!p0 s1  }
0xad: {  	[bflag:$0x3] =	sbarrier.arrive $0xFFFF  }
0xae: {  	_ =	shalt  }

</sc_bundles>
